<compile_context>
chip_gen: v7x
topology: tpu7x:2x2x1
jax: 0.10.2.dev20260603
libtpu: 0.0.44.dev20260713+nightly
codegen_flags: <defaults>
</compile_context>

<pallas_src>
import functools

import jax
import jax.numpy as jnp
from jax import lax
from jax.experimental import pallas as pl
from jax.experimental.pallas import tpu as pltpu
from jax.experimental.pallas import tpu_sc as plsc

LN = 8
C = 80
NC = 2
NS = 16
NW = NC * NS


def _sc_aggregate(N, D, E, x, src1, dst2, ones, zsum, zcnt):
    n_chunks = E // C
    chunks_pw = n_chunks // NW
    rpt = N // NS

    mesh = plsc.VectorSubcoreMesh(core_axis_name="core",
                                  subcore_axis_name="subcore")

    @functools.partial(
        pl.kernel,
        out_type=[
            jax.ShapeDtypeStruct((NC * N, D), jnp.float32),
            jax.ShapeDtypeStruct((NC * N, LN), jnp.float32),
        ],
        mesh=mesh,
        scratch_types=[
            pltpu.VMEM((C,), jnp.int32),
            pltpu.VMEM((C,), jnp.int32),
            pltpu.VMEM((C,), jnp.int32),
            pltpu.VMEM((chunks_pw, C), jnp.int32),
            pltpu.VMEM((C, D), jnp.float32),
            pltpu.VMEM((C, D), jnp.float32),
            pltpu.VMEM((C, D), jnp.float32),
            pltpu.VMEM((C, LN), jnp.float32),
            pltpu.VMEM_SHARED((N, D), jnp.float32),
            pltpu.VMEM_SHARED((N, LN), jnp.float32),
            pltpu.SemaphoreType.DMA,
            pltpu.SemaphoreType.DMA,
            pltpu.SemaphoreType.DMA,
            pltpu.SemaphoreType.DMA,
            pltpu.SemaphoreType.DMA,
            pltpu.SemaphoreType.DMA,
            pltpu.SemaphoreType.DMA,
        ],
        compiler_params=pltpu.CompilerParams(use_tc_tiling_on_sc=False),
    )
    def sc_kernel(x_hbm, src_hbm, dst_hbm, ones_hbm, zsum_hbm, zcnt_hbm,
                  out_sum, out_cnt,
                  sb0, sb1, sb2, dst_v, rb0, rb1, rb2, ones_v, sum_sh,
                  cnt_sh, si0, si1, si2, sg0, sg1, sg2, sem_c):
        c = lax.axis_index("core")
        s = lax.axis_index("subcore")
        w = c * NS + s
        ebase = w * chunks_pw * C

        sbuf = (sb0, sb1, sb2)
        bufs = (rb0, rb1, rb2)
        sem_i = (si0, si1, si2)
        sems = (sg0, sg1, sg2)

        pltpu.sync_copy(zsum_hbm.at[pl.ds(s * rpt, rpt)],
                        sum_sh.at[pl.ds(s * rpt, rpt)])
        pltpu.sync_copy(zcnt_hbm.at[pl.ds(s * rpt, rpt)],
                        cnt_sh.at[pl.ds(s * rpt, rpt)])
        pltpu.sync_copy(ones_hbm, ones_v)
        pltpu.sync_copy(dst_hbm.at[pl.ds(w * chunks_pw, chunks_pw)], dst_v)
        plsc.subcore_barrier()

        def load_src(k, m):
            pltpu.async_copy(src_hbm.at[pl.ds(ebase + k * C, C)],
                             sbuf[m], sem_i[m])

        def wait_src(m):
            pltpu.make_async_copy(src_hbm.at[pl.ds(ebase, C)],
                                  sbuf[m], sem_i[m]).wait()

        def start_gather(m):
            pltpu.async_copy(x_hbm.at[sbuf[m]], bufs[m], sems[m])

        def wait_gather(m):
            pltpu.make_async_copy(x_hbm.at[sbuf[m]], bufs[m],
                                  sems[m]).wait()

        def scatter(i, b):
            pltpu.async_copy(ones_v, cnt_sh.at[dst_v.at[i]], sem_c, add=True)
            pltpu.sync_copy(bufs[b], sum_sh.at[dst_v.at[i]], add=True)

        load_src(0, 0)
        load_src(1, 1)
        load_src(2, 2)
        wait_src(0)
        start_gather(0)
        wait_src(1)
        start_gather(1)

        def slot(k, b):
            wait_gather(b)
            load_src(k + 3, b)
            wait_src((b + 2) % 3)
            start_gather((b + 2) % 3)
            scatter(k, b)

        n_tri = (chunks_pw - 5) // 3

        @pl.loop(0, n_tri)
        def _(q):
            k = 3 * q
            slot(k, 0)
            slot(k + 1, 1)
            slot(k + 2, 2)

        for k in range(3 * n_tri, chunks_pw):
            b = k % 3
            wait_gather(b)
            if k + 3 < chunks_pw:
                load_src(k + 3, b)
            if k + 2 < chunks_pw:
                wait_src((b + 2) % 3)
                start_gather((b + 2) % 3)
            scatter(k, b)

        @pl.loop(0, chunks_pw)
        def _(i):
            pltpu.make_async_copy(ones_v, cnt_sh.at[dst_v.at[0]],
                                  sem_c).wait()

        plsc.subcore_barrier()
        base = c * N + s * rpt
        pltpu.sync_copy(sum_sh.at[pl.ds(s * rpt, rpt)],
                        out_sum.at[pl.ds(base, rpt)])
        pltpu.sync_copy(cnt_sh.at[pl.ds(s * rpt, rpt)],
                        out_cnt.at[pl.ds(base, rpt)])

    return sc_kernel(x, src1, dst2, ones, zsum, zcnt)


def _tc_head(N, D, H, x, psum, pcnt, w1l_t, b1l, w1r_t, w2_t, b2):
    R = 2000
    G = N // R

    def body(x_r, p0_r, p1_r, c0_r, c1_r, w1l_r, b1l_r, w1r_r, w2_r, b2_r,
             o_r):
        ssum = p0_r[...] + p1_r[...]
        cnt = c0_r[...][:, :1] + c1_r[...][:, :1]
        agg = ssum / jnp.maximum(cnt, 1.0)
        h = lax.dot_general(agg, w1l_r[...], (((1,), (0,)), ((), ())),
                            preferred_element_type=jnp.float32)
        h = h + lax.dot_general(x_r[...], w1r_r[...], (((1,), (0,)), ((), ())),
                                preferred_element_type=jnp.float32)
        h = jnp.maximum(h + b1l_r[...], 0.0)
        o = lax.dot_general(h, w2_r[...], (((1,), (0,)), ((), ())),
                            preferred_element_type=jnp.float32)
        o_r[...] = jnp.maximum(o + b2_r[...], 0.0)

    return pl.pallas_call(
        body,
        grid=(G,),
        in_specs=[
            pl.BlockSpec((R, D), lambda i: (i, 0)),
            pl.BlockSpec((R, D), lambda i: (i, 0)),
            pl.BlockSpec((R, D), lambda i: (i + G, 0)),
            pl.BlockSpec((R, LN), lambda i: (i, 0)),
            pl.BlockSpec((R, LN), lambda i: (i + G, 0)),
            pl.BlockSpec((D, D), lambda i: (0, 0)),
            pl.BlockSpec((1, D), lambda i: (0, 0)),
            pl.BlockSpec((D, D), lambda i: (0, 0)),
            pl.BlockSpec((D, H), lambda i: (0, 0)),
            pl.BlockSpec((1, H), lambda i: (0, 0)),
        ],
        out_specs=pl.BlockSpec((R, H), lambda i: (i, 0)),
        out_shape=jax.ShapeDtypeStruct((N, H), jnp.float32),
    )(x, psum, psum, pcnt, pcnt, w1l_t, b1l, w1r_t, w2_t, b2)


def kernel(x, edge_index, W1l, b1l, W1r, W2, b2):
    N, D = x.shape
    E = edge_index.shape[1]
    H = W2.shape[0]
    assert E % (NW * C) == 0 and N % NS == 0
    assert E // (NW * C) >= 3

    src1 = edge_index[0]
    dst2 = edge_index[1].reshape(E // C, C)
    ones = jnp.ones((C, LN), jnp.float32)
    zsum = jnp.zeros((N, D), jnp.float32)
    zcnt = jnp.zeros((N, LN), jnp.float32)

    psum, pcnt = _sc_aggregate(N, D, E, x, src1, dst2, ones, zsum, zcnt)
    return _tc_head(N, D, H, x, psum, pcnt, W1l.T, b1l.reshape(1, D),
                    W1r.T, W2.T, b2.reshape(1, H))

# --- scband reference (transcript-rebuilt; emitter-appended) ---
"""Pipeline reference for scband-gcn-47588237639689 (READ-ONLY COPY).

The authoritative reference and input builder live on the scoring server;
editing this copy changes nothing except your own understanding.
"""

import jax, jax.numpy as jnp
import numpy as np

N = 10000
E = 320000
D = 128
H = 64


def setup_inputs(seed: int = 0) -> dict:
    key = jax.random.key(seed)
    ks = jax.random.split(key, 8)
    x = jax.random.normal(ks[0], (N, D), dtype=jnp.float32)
    edge_index = jax.random.randint(ks[1], (2, E), 0, N, dtype=jnp.int32)
    # SAGEConv(128 -> 128): lin_l acts on aggregated neighbors (with bias), lin_r on root
    W1l = jax.random.normal(ks[2], (D, D), dtype=jnp.float32) / np.sqrt(D)
    b1l = jnp.zeros((D,), dtype=jnp.float32)
    W1r = jax.random.normal(ks[3], (D, D), dtype=jnp.float32) / np.sqrt(D)
    # Linear(128 -> 64)
    W2 = jax.random.normal(ks[4], (H, D), dtype=jnp.float32) / np.sqrt(D)
    b2 = jnp.zeros((H,), dtype=jnp.float32)
    return {"x": x, "edge_index": edge_index, "W1l": W1l, "b1l": b1l, "W1r": W1r, "W2": W2, "b2": b2}


def reference(x, edge_index, W1l, b1l, W1r, W2, b2):
    src = edge_index[0]
    dst = edge_index[1]
    # SAGEConv with mean aggregation: out = lin_l(mean_{j in N(i)} x_j) + lin_r(x_i)
    msgs = x[src]  # gather [E, D]
    summed = jnp.zeros((N, D), dtype=x.dtype).at[dst].add(msgs)  # scatter-add
    cnt = jnp.zeros((N,), dtype=x.dtype).at[dst].add(1.0)
    agg = summed / jnp.maximum(cnt, 1.0)[:, None]
    h = agg @ W1l.T + b1l + x @ W1r.T
    h = jax.nn.relu(h)
    h = jnp.squeeze(h)
    # linear head
    h = jax.nn.relu(h @ W2.T + b2)
    return h

if __name__ == "__main__":
    import jax
    _d = setup_inputs()
    print(jax.jit(kernel)(*tuple(_d.values())))

</pallas_src>

<mosaic_0001>
#map = affine_map<(d0, d1) -> (0, 0)>
#map1 = affine_map<(d0, d1) -> (0)>
module attributes {stable_mosaic.version = 14 : i64} {
  func.func @sc_kernel(%arg0: i32, %arg1: i32, %arg2: memref<10000x128xf32, #tpu.memory_space<hbm>>, %arg3: memref<320000xi32, #tpu.memory_space<hbm>>, %arg4: memref<4000x80xi32, #tpu.memory_space<hbm>>, %arg5: memref<80x8xf32, #tpu.memory_space<hbm>>, %arg6: memref<10000x128xf32, #tpu.memory_space<hbm>>, %arg7: memref<10000x8xf32, #tpu.memory_space<hbm>>, %arg8: memref<20000x128xf32, #tpu.memory_space<hbm>>, %arg9: memref<20000x8xf32, #tpu.memory_space<hbm>>, %arg10: memref<80xi32, #tpu.memory_space<vmem>>, %arg11: memref<80xi32, #tpu.memory_space<vmem>>, %arg12: memref<80xi32, #tpu.memory_space<vmem>>, %arg13: memref<125x80xi32, #tpu.memory_space<vmem>>, %arg14: memref<80x128xf32, #tpu.memory_space<vmem>>, %arg15: memref<80x128xf32, #tpu.memory_space<vmem>>, %arg16: memref<80x128xf32, #tpu.memory_space<vmem>>, %arg17: memref<80x8xf32, #tpu.memory_space<vmem>>, %arg18: memref<10000x128xf32, #tpu.memory_space<vmem_shared>>, %arg19: memref<10000x8xf32, #tpu.memory_space<vmem_shared>>, %arg20: memref<!tpu.dma_semaphore, #tpu.memory_space<semaphore_mem>>, %arg21: memref<!tpu.dma_semaphore, #tpu.memory_space<semaphore_mem>>, %arg22: memref<!tpu.dma_semaphore, #tpu.memory_space<semaphore_mem>>, %arg23: memref<!tpu.dma_semaphore, #tpu.memory_space<semaphore_mem>>, %arg24: memref<!tpu.dma_semaphore, #tpu.memory_space<semaphore_mem>>, %arg25: memref<!tpu.dma_semaphore, #tpu.memory_space<semaphore_mem>>, %arg26: memref<!tpu.dma_semaphore, #tpu.memory_space<semaphore_mem>>) attributes {dimension_semantics = [#tpu.dimension_semantics<core_parallel>, #tpu.dimension_semantics<subcore_parallel>], iteration_bounds = array<i64: 2, 16>, scalar_prefetch = 0 : i64, scratch_operands = 17 : i64, tpu.core_type = #tpu.core_type<sc_vector_subcore>, window_params = [{transform_indices = #map}, {transform_indices = #map1}, {transform_indices = #map}, {transform_indices = #map}, {transform_indices = #map}, {transform_indices = #map}, {transform_indices = #map}, {transform_indices = #map}]} {
    %mul3A = arith.constant 16 : i32
    %mul3A_0 = arith.muli %arg0, %mul3A : i32
    %add3A = arith.addi %mul3A_0, %arg1 : i32
    %mul3A_1 = arith.constant 125 : i32
    %mul3A_2 = arith.muli %add3A, %mul3A_1 : i32
    %mul3A_3 = arith.constant 80 : i32
    %mul3A_4 = arith.muli %mul3A_2, %mul3A_3 : i32
    %mul3A_5 = arith.constant 625 : i32
    %mul3A_6 = arith.muli %arg1, %mul3A_5 : i32
    %mul3A_7 = arith.constant 625 : i32
    %mul3A_8 = arith.muli %arg1, %mul3A_7 : i32
    "tpu.region"() ({
      %run_scoped3A_131 = tpu.sem_alloc : memref<!tpu.dma_semaphore, #tpu.memory_space<semaphore_mem>>
      %dma_start3A_132 = arith.constant 0 : i32
      %dma_start3A_133 = tpu.memref_slice %arg18[%mul3A_8, %dma_start3A_132] : memref<10000x128xf32, #tpu.memory_space<vmem_shared>> -> memref<625x128xf32, #tpu.memory_space<vmem_shared>>
      %dma_start3A_134 = arith.constant 0 : i32
      %dma_start3A_135 = tpu.memref_slice %arg6[%mul3A_6, %dma_start3A_134] : memref<10000x128xf32, #tpu.memory_space<hbm>> -> memref<625x128xf32, #tpu.memory_space<hbm>>
      tpu.enqueue_dma source(%dma_start3A_135 : memref<625x128xf32, #tpu.memory_space<hbm>>) target(%dma_start3A_133 : memref<625x128xf32, #tpu.memory_space<vmem_shared>>) target_semaphore(%run_scoped3A_131 : memref<!tpu.dma_semaphore, #tpu.memory_space<semaphore_mem>>)
      %dma_wait3A_136 = arith.constant 0 : i32
      %dma_wait3A_137 = tpu.memref_slice %arg18[%mul3A_8, %dma_wait3A_136] : memref<10000x128xf32, #tpu.memory_space<vmem_shared>> -> memref<625x128xf32, #tpu.memory_space<vmem_shared>>
      %dma_wait3A_138 = arith.constant 0 : i32
      %dma_wait3A_139 = tpu.memref_slice %arg6[%mul3A_6, %dma_wait3A_138] : memref<10000x128xf32, #tpu.memory_space<hbm>> -> memref<625x128xf32, #tpu.memory_space<hbm>>
      tpu.wait_dma2 semaphore(%run_scoped3A_131 : memref<!tpu.dma_semaphore, #tpu.memory_space<semaphore_mem>>) src(%dma_wait3A_139 : memref<625x128xf32, #tpu.memory_space<hbm>>) dst(%dma_wait3A_137 : memref<625x128xf32, #tpu.memory_space<vmem_shared>>)
      tpu.yield
    }) : () -> ()
    %mul3A_9 = arith.constant 625 : i32
    %mul3A_10 = arith.muli %arg1, %mul3A_9 : i32
    %mul3A_11 = arith.constant 625 : i32
    %mul3A_12 = arith.muli %arg1, %mul3A_11 : i32
    "tpu.region"() ({
      %run_scoped3A_131 = tpu.sem_alloc : memref<!tpu.dma_semaphore, #tpu.memory_space<semaphore_mem>>
      %dma_start3A_132 = arith.constant 0 : i32
      %dma_start3A_133 = tpu.memref_slice %arg19[%mul3A_12, %dma_start3A_132] : memref<10000x8xf32, #tpu.memory_space<vmem_shared>> -> memref<625x8xf32, #tpu.memory_space<vmem_shared>>
      %dma_start3A_134 = arith.constant 0 : i32
      %dma_start3A_135 = tpu.memref_slice %arg7[%mul3A_10, %dma_start3A_134] : memref<10000x8xf32, #tpu.memory_space<hbm>> -> memref<625x8xf32, #tpu.memory_space<hbm>>
      tpu.enqueue_dma source(%dma_start3A_135 : memref<625x8xf32, #tpu.memory_space<hbm>>) target(%dma_start3A_133 : memref<625x8xf32, #tpu.memory_space<vmem_shared>>) target_semaphore(%run_scoped3A_131 : memref<!tpu.dma_semaphore, #tpu.memory_space<semaphore_mem>>)
      %dma_wait3A_136 = arith.constant 0 : i32
      %dma_wait3A_137 = tpu.memref_slice %arg19[%mul3A_12, %dma_wait3A_136] : memref<10000x8xf32, #tpu.memory_space<vmem_shared>> -> memref<625x8xf32, #tpu.memory_space<vmem_shared>>
      %dma_wait3A_138 = arith.constant 0 : i32
      %dma_wait3A_139 = tpu.memref_slice %arg7[%mul3A_10, %dma_wait3A_138] : memref<10000x8xf32, #tpu.memory_space<hbm>> -> memref<625x8xf32, #tpu.memory_space<hbm>>
      tpu.wait_dma2 semaphore(%run_scoped3A_131 : memref<!tpu.dma_semaphore, #tpu.memory_space<semaphore_mem>>) src(%dma_wait3A_139 : memref<625x8xf32, #tpu.memory_space<hbm>>) dst(%dma_wait3A_137 : memref<625x8xf32, #tpu.memory_space<vmem_shared>>)
      tpu.yield
    }) : () -> ()
    "tpu.region"() ({
      %run_scoped3A_131 = tpu.sem_alloc : memref<!tpu.dma_semaphore, #tpu.memory_space<semaphore_mem>>
      tpu.enqueue_dma source(%arg5 : memref<80x8xf32, #tpu.memory_space<hbm>>) target(%arg17 : memref<80x8xf32, #tpu.memory_space<vmem>>) target_semaphore(%run_scoped3A_131 : memref<!tpu.dma_semaphore, #tpu.memory_space<semaphore_mem>>)
      tpu.wait_dma2 semaphore(%run_scoped3A_131 : memref<!tpu.dma_semaphore, #tpu.memory_space<semaphore_mem>>) src(%arg5 : memref<80x8xf32, #tpu.memory_space<hbm>>) dst(%arg17 : memref<80x8xf32, #tpu.memory_space<vmem>>)
      tpu.yield
    }) : () -> ()
    %mul3A_13 = arith.constant 125 : i32
    %mul3A_14 = arith.muli %add3A, %mul3A_13 : i32
    "tpu.region"() ({
      %run_scoped3A_131 = tpu.sem_alloc : memref<!tpu.dma_semaphore, #tpu.memory_space<semaphore_mem>>
      %dma_start3A_132 = arith.constant 0 : i32
      %dma_start3A_133 = tpu.memref_slice %arg4[%mul3A_14, %dma_start3A_132] : memref<4000x80xi32, #tpu.memory_space<hbm>> -> memref<125x80xi32, #tpu.memory_space<hbm>>
      %dma_start3A_134 = arith.constant 0 : i32
      %dma_start3A_135 = tpu.memref_slice %arg4[%mul3A_14, %dma_start3A_134] : memref<4000x80xi32, #tpu.memory_space<hbm>> -> memref<125x80xi32, #tpu.memory_space<hbm>>
      tpu.enqueue_dma source(%dma_start3A_135 : memref<125x80xi32, #tpu.memory_space<hbm>>) target(%arg13 : memref<125x80xi32, #tpu.memory_space<vmem>>) target_semaphore(%run_scoped3A_131 : memref<!tpu.dma_semaphore, #tpu.memory_space<semaphore_mem>>)
      %dma_wait3A_136 = arith.constant 0 : i32
      %dma_wait3A_137 = tpu.memref_slice %arg4[%mul3A_14, %dma_wait3A_136] : memref<4000x80xi32, #tpu.memory_space<hbm>> -> memref<125x80xi32, #tpu.memory_space<hbm>>
      %dma_wait3A_138 = arith.constant 0 : i32
      %dma_wait3A_139 = tpu.memref_slice %arg4[%mul3A_14, %dma_wait3A_138] : memref<4000x80xi32, #tpu.memory_space<hbm>> -> memref<125x80xi32, #tpu.memory_space<hbm>>
      tpu.wait_dma2 semaphore(%run_scoped3A_131 : memref<!tpu.dma_semaphore, #tpu.memory_space<semaphore_mem>>) src(%dma_wait3A_139 : memref<125x80xi32, #tpu.memory_space<hbm>>) dst(%arg13 : memref<125x80xi32, #tpu.memory_space<vmem>>)
      tpu.yield
    }) : () -> ()
    %barrier3A = arith.constant 0 : index
    tpu.barrier barrier_id(%barrier3A)
    %add3A_15 = arith.constant 0 : i32
    %add3A_16 = arith.addi %mul3A_4, %add3A_15 : i32
    %dma_start3A = tpu.memref_slice %arg3[%add3A_16] : memref<320000xi32, #tpu.memory_space<hbm>> -> memref<80xi32, #tpu.memory_space<hbm>>
    %dma_start3A_17 = tpu.memref_slice %arg3[%add3A_16] : memref<320000xi32, #tpu.memory_space<hbm>> -> memref<80xi32, #tpu.memory_space<hbm>>
    tpu.enqueue_dma source(%dma_start3A_17 : memref<80xi32, #tpu.memory_space<hbm>>) target(%arg10 : memref<80xi32, #tpu.memory_space<vmem>>) target_semaphore(%arg20 : memref<!tpu.dma_semaphore, #tpu.memory_space<semaphore_mem>>)
    %add3A_18 = arith.constant 80 : i32
    %add3A_19 = arith.addi %mul3A_4, %add3A_18 : i32
    %dma_start3A_20 = tpu.memref_slice %arg3[%add3A_19] : memref<320000xi32, #tpu.memory_space<hbm>> -> memref<80xi32, #tpu.memory_space<hbm>>
    %dma_start3A_21 = tpu.memref_slice %arg3[%add3A_19] : memref<320000xi32, #tpu.memory_space<hbm>> -> memref<80xi32, #tpu.memory_space<hbm>>
    tpu.enqueue_dma source(%dma_start3A_21 : memref<80xi32, #tpu.memory_space<hbm>>) target(%arg11 : memref<80xi32, #tpu.memory_space<vmem>>) target_semaphore(%arg21 : memref<!tpu.dma_semaphore, #tpu.memory_space<semaphore_mem>>)
    %add3A_22 = arith.constant 160 : i32
    %add3A_23 = arith.addi %mul3A_4, %add3A_22 : i32
    %dma_start3A_24 = tpu.memref_slice %arg3[%add3A_23] : memref<320000xi32, #tpu.memory_space<hbm>> -> memref<80xi32, #tpu.memory_space<hbm>>
    %dma_start3A_25 = tpu.memref_slice %arg3[%add3A_23] : memref<320000xi32, #tpu.memory_space<hbm>> -> memref<80xi32, #tpu.memory_space<hbm>>
    tpu.enqueue_dma source(%dma_start3A_25 : memref<80xi32, #tpu.memory_space<hbm>>) target(%arg12 : memref<80xi32, #tpu.memory_space<vmem>>) target_semaphore(%arg22 : memref<!tpu.dma_semaphore, #tpu.memory_space<semaphore_mem>>)
    %dma_wait3A = tpu.memref_slice %arg3[%mul3A_4] : memref<320000xi32, #tpu.memory_space<hbm>> -> memref<80xi32, #tpu.memory_space<hbm>>
    %dma_wait3A_26 = tpu.memref_slice %arg3[%mul3A_4] : memref<320000xi32, #tpu.memory_space<hbm>> -> memref<80xi32, #tpu.memory_space<hbm>>
    tpu.wait_dma2 semaphore(%arg20 : memref<!tpu.dma_semaphore, #tpu.memory_space<semaphore_mem>>) src(%dma_wait3A_26 : memref<80xi32, #tpu.memory_space<hbm>>) dst(%arg10 : memref<80xi32, #tpu.memory_space<vmem>>)
    %dma_start3A_27 = arith.constant 0 : i32
    %dma_start3A_28 = arith.constant 0 : i32
    %dma_start3A_29 = tpu.memref_slice %arg2[%dma_start3A_27, %dma_start3A_28] : memref<10000x128xf32, #tpu.memory_space<hbm>> -> memref<10000x128xf32, #tpu.memory_space<hbm>>
    tpu.enqueue_indirect_dma source(%dma_start3A_29 : memref<10000x128xf32, #tpu.memory_space<hbm>>) target(%arg14 : memref<80x128xf32, #tpu.memory_space<vmem>>) offsets(%arg10 : memref<80xi32, #tpu.memory_space<vmem>>) semaphore(%arg23 : memref<!tpu.dma_semaphore, #tpu.memory_space<semaphore_mem>>)
    %dma_wait3A_30 = tpu.memref_slice %arg3[%mul3A_4] : memref<320000xi32, #tpu.memory_space<hbm>> -> memref<80xi32, #tpu.memory_space<hbm>>
    %dma_wait3A_31 = tpu.memref_slice %arg3[%mul3A_4] : memref<320000xi32, #tpu.memory_space<hbm>> -> memref<80xi32, #tpu.memory_space<hbm>>
    tpu.wait_dma2 semaphore(%arg21 : memref<!tpu.dma_semaphore, #tpu.memory_space<semaphore_mem>>) src(%dma_wait3A_31 : memref<80xi32, #tpu.memory_space<hbm>>) dst(%arg11 : memref<80xi32, #tpu.memory_space<vmem>>)
    %dma_start3A_32 = arith.constant 0 : i32
    %dma_start3A_33 = arith.constant 0 : i32
    %dma_start3A_34 = tpu.memref_slice %arg2[%dma_start3A_32, %dma_start3A_33] : memref<10000x128xf32, #tpu.memory_space<hbm>> -> memref<10000x128xf32, #tpu.memory_space<hbm>>
    tpu.enqueue_indirect_dma source(%dma_start3A_34 : memref<10000x128xf32, #tpu.memory_space<hbm>>) target(%arg15 : memref<80x128xf32, #tpu.memory_space<vmem>>) offsets(%arg11 : memref<80xi32, #tpu.memory_space<vmem>>) semaphore(%arg24 : memref<!tpu.dma_semaphore, #tpu.memory_space<semaphore_mem>>)
    %scan3A = arith.constant 0 : i32
    %scan3A_35 = arith.constant 40 : i32
    %scan3A_36 = arith.addi %scan3A, %scan3A_35 : i32
    %scan3A_37 = arith.constant 1 : i32
    scf.for %scan3A_131 = %scan3A to %scan3A_36 step %scan3A_37  : i32 {
      %mul3A_132 = arith.constant 1 : i32
      %mul3A_133 = arith.muli %scan3A_131, %mul3A_132 : i32
      %add3A_134 = arith.constant 0 : i32
      %add3A_135 = arith.addi %add3A_134, %mul3A_133 : i32
      %mul3A_136 = arith.constant 3 : i32
      %mul3A_137 = arith.muli %mul3A_136, %add3A_135 : i32
      %dma_wait3A_138 = arith.constant 0 : i32
      %dma_wait3A_139 = arith.constant 0 : i32
      %dma_wait3A_140 = tpu.memref_slice %arg2[%dma_wait3A_138, %dma_wait3A_139] : memref<10000x128xf32, #tpu.memory_space<hbm>> -> memref<10000x128xf32, #tpu.memory_space<hbm>>
      tpu.wait_indirect_dma semaphore(%arg23 : memref<!tpu.dma_semaphore, #tpu.memory_space<semaphore_mem>>) src(%dma_wait3A_140 : memref<10000x128xf32, #tpu.memory_space<hbm>>) dst(%arg14 : memref<80x128xf32, #tpu.memory_space<vmem>>)
      %add3A_141 = arith.constant 3 : i32
      %add3A_142 = arith.addi %mul3A_137, %add3A_141 : i32
      %mul3A_143 = arith.constant 80 : i32
      %mul3A_144 = arith.muli %add3A_142, %mul3A_143 : i32
      %add3A_145 = arith.addi %mul3A_4, %mul3A_144 : i32
      %dma_start3A_146 = tpu.memref_slice %arg3[%add3A_145] : memref<320000xi32, #tpu.memory_space<hbm>> -> memref<80xi32, #tpu.memory_space<hbm>>
      %dma_start3A_147 = tpu.memref_slice %arg3[%add3A_145] : memref<320000xi32, #tpu.memory_space<hbm>> -> memref<80xi32, #tpu.memory_space<hbm>>
      tpu.enqueue_dma source(%dma_start3A_147 : memref<80xi32, #tpu.memory_space<hbm>>) target(%arg10 : memref<80xi32, #tpu.memory_space<vmem>>) target_semaphore(%arg20 : memref<!tpu.dma_semaphore, #tpu.memory_space<semaphore_mem>>)
      %dma_wait3A_148 = tpu.memref_slice %arg3[%mul3A_4] : memref<320000xi32, #tpu.memory_space<hbm>> -> memref<80xi32, #tpu.memory_space<hbm>>
      %dma_wait3A_149 = tpu.memref_slice %arg3[%mul3A_4] : memref<320000xi32, #tpu.memory_space<hbm>> -> memref<80xi32, #tpu.memory_space<hbm>>
      tpu.wait_dma2 semaphore(%arg22 : memref<!tpu.dma_semaphore, #tpu.memory_space<semaphore_mem>>) src(%dma_wait3A_149 : memref<80xi32, #tpu.memory_space<hbm>>) dst(%arg12 : memref<80xi32, #tpu.memory_space<vmem>>)
      %dma_start3A_150 = arith.constant 0 : i32
      %dma_start3A_151 = arith.constant 0 : i32
      %dma_start3A_152 = tpu.memref_slice %arg2[%dma_start3A_150, %dma_start3A_151] : memref<10000x128xf32, #tpu.memory_space<hbm>> -> memref<10000x128xf32, #tpu.memory_space<hbm>>
      tpu.enqueue_indirect_dma source(%dma_start3A_152 : memref<10000x128xf32, #tpu.memory_space<hbm>>) target(%arg16 : memref<80x128xf32, #tpu.memory_space<vmem>>) offsets(%arg12 : memref<80xi32, #tpu.memory_space<vmem>>) semaphore(%arg25 : memref<!tpu.dma_semaphore, #tpu.memory_space<semaphore_mem>>)
      %dma_start3A_153 = arith.constant 0 : i32
      %dma_start3A_154 = tpu.memref_slice %arg13[%mul3A_137, %dma_start3A_153] : memref<125x80xi32, #tpu.memory_space<vmem>> -> memref<1x80xi32, #tpu.memory_space<vmem>>
      %dma_start3A_155 = tpu.memref_squeeze %dma_start3A_154 : memref<1x80xi32, #tpu.memory_space<vmem>> -> memref<80xi32, #tpu.memory_space<vmem>>
      %dma_start3A_156 = arith.constant 0 : i32
      %dma_start3A_157 = arith.constant 0 : i32
      %dma_start3A_158 = tpu.memref_slice %arg19[%dma_start3A_156, %dma_start3A_157] : memref<10000x8xf32, #tpu.memory_space<vmem_shared>> -> memref<10000x8xf32, #tpu.memory_space<vmem_shared>>
      tpu.enqueue_indirect_dma source(%arg17 : memref<80x8xf32, #tpu.memory_space<vmem>>) target(%dma_start3A_158 : memref<10000x8xf32, #tpu.memory_space<vmem_shared>>) offsets(%dma_start3A_155 : memref<80xi32, #tpu.memory_space<vmem>>) semaphore(%arg26 : memref<!tpu.dma_semaphore, #tpu.memory_space<semaphore_mem>>) {add = true}
      "tpu.region"() ({
        %run_scoped3A_205 = tpu.sem_alloc : memref<!tpu.dma_semaphore, #tpu.memory_space<semaphore_mem>>
        %dma_start3A_206 = arith.constant 0 : i32
        %dma_start3A_207 = tpu.memref_slice %arg13[%mul3A_137, %dma_start3A_206] : memref<125x80xi32, #tpu.memory_space<vmem>> -> memref<1x80xi32, #tpu.memory_space<vmem>>
        %dma_start3A_208 = tpu.memref_squeeze %dma_start3A_207 : memref<1x80xi32, #tpu.memory_space<vmem>> -> memref<80xi32, #tpu.memory_space<vmem>>
        %dma_start3A_209 = arith.constant 0 : i32
        %dma_start3A_210 = arith.constant 0 : i32
        %dma_start3A_211 = tpu.memref_slice %arg18[%dma_start3A_209, %dma_start3A_210] : memref<10000x128xf32, #tpu.memory_space<vmem_shared>> -> memref<10000x128xf32, #tpu.memory_space<vmem_shared>>
        tpu.enqueue_indirect_dma source(%arg14 : memref<80x128xf32, #tpu.memory_space<vmem>>) target(%dma_start3A_211 : memref<10000x128xf32, #tpu.memory_space<vmem_shared>>) offsets(%dma_start3A_208 : memref<80xi32, #tpu.memory_space<vmem>>) semaphore(%run_scoped3A_205 : memref<!tpu.dma_semaphore, #tpu.memory_space<semaphore_mem>>) {add = true}
        %dma_wait3A_212 = arith.constant 0 : i32
        %dma_wait3A_213 = tpu.memref_slice %arg13[%mul3A_137, %dma_wait3A_212] : memref<125x80xi32, #tpu.memory_space<vmem>> -> memref<1x80xi32, #tpu.memory_space<vmem>>
        %dma_wait3A_214 = tpu.memref_squeeze %dma_wait3A_213 : memref<1x80xi32, #tpu.memory_space<vmem>> -> memref<80xi32, #tpu.memory_space<vmem>>
        %dma_wait3A_215 = arith.constant 0 : i32
        %dma_wait3A_216 = arith.constant 0 : i32
        %dma_wait3A_217 = tpu.memref_slice %arg18[%dma_wait3A_215, %dma_wait3A_216] : memref<10000x128xf32, #tpu.memory_space<vmem_shared>> -> memref<10000x128xf32, #tpu.memory_space<vmem_shared>>
        tpu.wait_indirect_dma semaphore(%run_scoped3A_205 : memref<!tpu.dma_semaphore, #tpu.memory_space<semaphore_mem>>) src(%arg14 : memref<80x128xf32, #tpu.memory_space<vmem>>) dst(%dma_wait3A_217 : memref<10000x128xf32, #tpu.memory_space<vmem_shared>>)
        tpu.yield
      }) : () -> ()
      %add3A_159 = arith.constant 1 : i32
      %add3A_160 = arith.addi %mul3A_137, %add3A_159 : i32
      %dma_wait3A_161 = arith.constant 0 : i32
      %dma_wait3A_162 = arith.constant 0 : i32
      %dma_wait3A_163 = tpu.memref_slice %arg2[%dma_wait3A_161, %dma_wait3A_162] : memref<10000x128xf32, #tpu.memory_space<hbm>> -> memref<10000x128xf32, #tpu.memory_space<hbm>>
      tpu.wait_indirect_dma semaphore(%arg24 : memref<!tpu.dma_semaphore, #tpu.memory_space<semaphore_mem>>) src(%dma_wait3A_163 : memref<10000x128xf32, #tpu.memory_space<hbm>>) dst(%arg15 : memref<80x128xf32, #tpu.memory_space<vmem>>)
      %add3A_164 = arith.constant 3 : i32
      %add3A_165 = arith.addi %add3A_160, %add3A_164 : i32
      %mul3A_166 = arith.constant 80 : i32
      %mul3A_167 = arith.muli %add3A_165, %mul3A_166 : i32
      %add3A_168 = arith.addi %mul3A_4, %mul3A_167 : i32
      %dma_start3A_169 = tpu.memref_slice %arg3[%add3A_168] : memref<320000xi32, #tpu.memory_space<hbm>> -> memref<80xi32, #tpu.memory_space<hbm>>
      %dma_start3A_170 = tpu.memref_slice %arg3[%add3A_168] : memref<320000xi32, #tpu.memory_space<hbm>> -> memref<80xi32, #tpu.memory_space<hbm>>
      tpu.enqueue_dma source(%dma_start3A_170 : memref<80xi32, #tpu.memory_space<hbm>>) target(%arg11 : memref<80xi32, #tpu.memory_space<vmem>>) target_semaphore(%arg21 : memref<!tpu.dma_semaphore, #tpu.memory_space<semaphore_mem>>)
      %dma_wait3A_171 = tpu.memref_slice %arg3[%mul3A_4] : memref<320000xi32, #tpu.memory_space<hbm>> -> memref<80xi32, #tpu.memory_space<hbm>>
      %dma_wait3A_172 = tpu.memref_slice %arg3[%mul3A_4] : memref<320000xi32, #tpu.memory_space<hbm>> -> memref<80xi32, #tpu.memory_space<hbm>>
      tpu.wait_dma2 semaphore(%arg20 : memref<!tpu.dma_semaphore, #tpu.memory_space<semaphore_mem>>) src(%dma_wait3A_172 : memref<80xi32, #tpu.memory_space<hbm>>) dst(%arg10 : memref<80xi32, #tpu.memory_space<vmem>>)
      %dma_start3A_173 = arith.constant 0 : i32
      %dma_start3A_174 = arith.constant 0 : i32
      %dma_start3A_175 = tpu.memref_slice %arg2[%dma_start3A_173, %dma_start3A_174] : memref<10000x128xf32, #tpu.memory_space<hbm>> -> memref<10000x128xf32, #tpu.memory_space<hbm>>
      tpu.enqueue_indirect_dma source(%dma_start3A_175 : memref<10000x128xf32, #tpu.memory_space<hbm>>) target(%arg14 : memref<80x128xf32, #tpu.memory_space<vmem>>) offsets(%arg10 : memref<80xi32, #tpu.memory_space<vmem>>) semaphore(%arg23 : memref<!tpu.dma_semaphore, #tpu.memory_space<semaphore_mem>>)
      %dma_start3A_176 = arith.constant 0 : i32
      %dma_start3A_177 = tpu.memref_slice %arg13[%add3A_160, %dma_start3A_176] : memref<125x80xi32, #tpu.memory_space<vmem>> -> memref<1x80xi32, #tpu.memory_space<vmem>>
      %dma_start3A_178 = tpu.memref_squeeze %dma_start3A_177 : memref<1x80xi32, #tpu.memory_space<vmem>> -> memref<80xi32, #tpu.memory_space<vmem>>
      %dma_start3A_179 = arith.constant 0 : i32
      %dma_start3A_180 = arith.constant 0 : i32
      %dma_start3A_181 = tpu.memref_slice %arg19[%dma_start3A_179, %dma_start3A_180] : memref<10000x8xf32, #tpu.memory_space<vmem_shared>> -> memref<10000x8xf32, #tpu.memory_space<vmem_shared>>
      tpu.enqueue_indirect_dma source(%arg17 : memref<80x8xf32, #tpu.memory_space<vmem>>) target(%dma_start3A_181 : memref<10000x8xf32, #tpu.memory_space<vmem_shared>>) offsets(%dma_start3A_178 : memref<80xi32, #tpu.memory_space<vmem>>) semaphore(%arg26 : memref<!tpu.dma_semaphore, #tpu.memory_space<semaphore_mem>>) {add = true}
      "tpu.region"() ({
        %run_scoped3A_205 = tpu.sem_alloc : memref<!tpu.dma_semaphore, #tpu.memory_space<semaphore_mem>>
        %dma_start3A_206 = arith.constant 0 : i32
        %dma_start3A_207 = tpu.memref_slice %arg13[%add3A_160, %dma_start3A_206] : memref<125x80xi32, #tpu.memory_space<vmem>> -> memref<1x80xi32, #tpu.memory_space<vmem>>
        %dma_start3A_208 = tpu.memref_squeeze %dma_start3A_207 : memref<1x80xi32, #tpu.memory_space<vmem>> -> memref<80xi32, #tpu.memory_space<vmem>>
        %dma_start3A_209 = arith.constant 0 : i32
        %dma_start3A_210 = arith.constant 0 : i32
        %dma_start3A_211 = tpu.memref_slice %arg18[%dma_start3A_209, %dma_start3A_210] : memref<10000x128xf32, #tpu.memory_space<vmem_shared>> -> memref<10000x128xf32, #tpu.memory_space<vmem_shared>>
        tpu.enqueue_indirect_dma source(%arg15 : memref<80x128xf32, #tpu.memory_space<vmem>>) target(%dma_start3A_211 : memref<10000x128xf32, #tpu.memory_space<vmem_shared>>) offsets(%dma_start3A_208 : memref<80xi32, #tpu.memory_space<vmem>>) semaphore(%run_scoped3A_205 : memref<!tpu.dma_semaphore, #tpu.memory_space<semaphore_mem>>) {add = true}
        %dma_wait3A_212 = arith.constant 0 : i32
        %dma_wait3A_213 = tpu.memref_slice %arg13[%add3A_160, %dma_wait3A_212] : memref<125x80xi32, #tpu.memory_space<vmem>> -> memref<1x80xi32, #tpu.memory_space<vmem>>
        %dma_wait3A_214 = tpu.memref_squeeze %dma_wait3A_213 : memref<1x80xi32, #tpu.memory_space<vmem>> -> memref<80xi32, #tpu.memory_space<vmem>>
        %dma_wait3A_215 = arith.constant 0 : i32
        %dma_wait3A_216 = arith.constant 0 : i32
        %dma_wait3A_217 = tpu.memref_slice %arg18[%dma_wait3A_215, %dma_wait3A_216] : memref<10000x128xf32, #tpu.memory_space<vmem_shared>> -> memref<10000x128xf32, #tpu.memory_space<vmem_shared>>
        tpu.wait_indirect_dma semaphore(%run_scoped3A_205 : memref<!tpu.dma_semaphore, #tpu.memory_space<semaphore_mem>>) src(%arg15 : memref<80x128xf32, #tpu.memory_space<vmem>>) dst(%dma_wait3A_217 : memref<10000x128xf32, #tpu.memory_space<vmem_shared>>)
        tpu.yield
      }) : () -> ()
      %add3A_182 = arith.constant 2 : i32
      %add3A_183 = arith.addi %mul3A_137, %add3A_182 : i32
      %dma_wait3A_184 = arith.constant 0 : i32
      %dma_wait3A_185 = arith.constant 0 : i32
      %dma_wait3A_186 = tpu.memref_slice %arg2[%dma_wait3A_184, %dma_wait3A_185] : memref<10000x128xf32, #tpu.memory_space<hbm>> -> memref<10000x128xf32, #tpu.memory_space<hbm>>
      tpu.wait_indirect_dma semaphore(%arg25 : memref<!tpu.dma_semaphore, #tpu.memory_space<semaphore_mem>>) src(%dma_wait3A_186 : memref<10000x128xf32, #tpu.memory_space<hbm>>) dst(%arg16 : memref<80x128xf32, #tpu.memory_space<vmem>>)
      %add3A_187 = arith.constant 3 : i32
      %add3A_188 = arith.addi %add3A_183, %add3A_187 : i32
      %mul3A_189 = arith.constant 80 : i32
      %mul3A_190 = arith.muli %add3A_188, %mul3A_189 : i32
      %add3A_191 = arith.addi %mul3A_4, %mul3A_190 : i32
      %dma_start3A_192 = tpu.memref_slice %arg3[%add3A_191] : memref<320000xi32, #tpu.memory_space<hbm>> -> memref<80xi32, #tpu.memory_space<hbm>>
      %dma_start3A_193 = tpu.memref_slice %arg3[%add3A_191] : memref<320000xi32, #tpu.memory_space<hbm>> -> memref<80xi32, #tpu.memory_space<hbm>>
      tpu.enqueue_dma source(%dma_start3A_193 : memref<80xi32, #tpu.memory_space<hbm>>) target(%arg12 : memref<80xi32, #tpu.memory_space<vmem>>) target_semaphore(%arg22 : memref<!tpu.dma_semaphore, #tpu.memory_space<semaphore_mem>>)
      %dma_wait3A_194 = tpu.memref_slice %arg3[%mul3A_4] : memref<320000xi32, #tpu.memory_space<hbm>> -> memref<80xi32, #tpu.memory_space<hbm>>
      %dma_wait3A_195 = tpu.memref_slice %arg3[%mul3A_4] : memref<320000xi32, #tpu.memory_space<hbm>> -> memref<80xi32, #tpu.memory_space<hbm>>
      tpu.wait_dma2 semaphore(%arg21 : memref<!tpu.dma_semaphore, #tpu.memory_space<semaphore_mem>>) src(%dma_wait3A_195 : memref<80xi32, #tpu.memory_space<hbm>>) dst(%arg11 : memref<80xi32, #tpu.memory_space<vmem>>)
      %dma_start3A_196 = arith.constant 0 : i32
      %dma_start3A_197 = arith.constant 0 : i32
      %dma_start3A_198 = tpu.memref_slice %arg2[%dma_start3A_196, %dma_start3A_197] : memref<10000x128xf32, #tpu.memory_space<hbm>> -> memref<10000x128xf32, #tpu.memory_space<hbm>>
      tpu.enqueue_indirect_dma source(%dma_start3A_198 : memref<10000x128xf32, #tpu.memory_space<hbm>>) target(%arg15 : memref<80x128xf32, #tpu.memory_space<vmem>>) offsets(%arg11 : memref<80xi32, #tpu.memory_space<vmem>>) semaphore(%arg24 : memref<!tpu.dma_semaphore, #tpu.memory_space<semaphore_mem>>)
      %dma_start3A_199 = arith.constant 0 : i32
      %dma_start3A_200 = tpu.memref_slice %arg13[%add3A_183, %dma_start3A_199] : memref<125x80xi32, #tpu.memory_space<vmem>> -> memref<1x80xi32, #tpu.memory_space<vmem>>
      %dma_start3A_201 = tpu.memref_squeeze %dma_start3A_200 : memref<1x80xi32, #tpu.memory_space<vmem>> -> memref<80xi32, #tpu.memory_space<vmem>>
      %dma_start3A_202 = arith.constant 0 : i32
      %dma_start3A_203 = arith.constant 0 : i32
      %dma_start3A_204 = tpu.memref_slice %arg19[%dma_start3A_202, %dma_start3A_203] : memref<10000x8xf32, #tpu.memory_space<vmem_shared>> -> memref<10000x8xf32, #tpu.memory_space<vmem_shared>>
      tpu.enqueue_indirect_dma source(%arg17 : memref<80x8xf32, #tpu.memory_space<vmem>>) target(%dma_start3A_204 : memref<10000x8xf32, #tpu.memory_space<vmem_shared>>) offsets(%dma_start3A_201 : memref<80xi32, #tpu.memory_space<vmem>>) semaphore(%arg26 : memref<!tpu.dma_semaphore, #tpu.memory_space<semaphore_mem>>) {add = true}
      "tpu.region"() ({
        %run_scoped3A_205 = tpu.sem_alloc : memref<!tpu.dma_semaphore, #tpu.memory_space<semaphore_mem>>
        %dma_start3A_206 = arith.constant 0 : i32
        %dma_start3A_207 = tpu.memref_slice %arg13[%add3A_183, %dma_start3A_206] : memref<125x80xi32, #tpu.memory_space<vmem>> -> memref<1x80xi32, #tpu.memory_space<vmem>>
        %dma_start3A_208 = tpu.memref_squeeze %dma_start3A_207 : memref<1x80xi32, #tpu.memory_space<vmem>> -> memref<80xi32, #tpu.memory_space<vmem>>
        %dma_start3A_209 = arith.constant 0 : i32
        %dma_start3A_210 = arith.constant 0 : i32
        %dma_start3A_211 = tpu.memref_slice %arg18[%dma_start3A_209, %dma_start3A_210] : memref<10000x128xf32, #tpu.memory_space<vmem_shared>> -> memref<10000x128xf32, #tpu.memory_space<vmem_shared>>
        tpu.enqueue_indirect_dma source(%arg16 : memref<80x128xf32, #tpu.memory_space<vmem>>) target(%dma_start3A_211 : memref<10000x128xf32, #tpu.memory_space<vmem_shared>>) offsets(%dma_start3A_208 : memref<80xi32, #tpu.memory_space<vmem>>) semaphore(%run_scoped3A_205 : memref<!tpu.dma_semaphore, #tpu.memory_space<semaphore_mem>>) {add = true}
        %dma_wait3A_212 = arith.constant 0 : i32
        %dma_wait3A_213 = tpu.memref_slice %arg13[%add3A_183, %dma_wait3A_212] : memref<125x80xi32, #tpu.memory_space<vmem>> -> memref<1x80xi32, #tpu.memory_space<vmem>>
        %dma_wait3A_214 = tpu.memref_squeeze %dma_wait3A_213 : memref<1x80xi32, #tpu.memory_space<vmem>> -> memref<80xi32, #tpu.memory_space<vmem>>
        %dma_wait3A_215 = arith.constant 0 : i32
        %dma_wait3A_216 = arith.constant 0 : i32
        %dma_wait3A_217 = tpu.memref_slice %arg18[%dma_wait3A_215, %dma_wait3A_216] : memref<10000x128xf32, #tpu.memory_space<vmem_shared>> -> memref<10000x128xf32, #tpu.memory_space<vmem_shared>>
        tpu.wait_indirect_dma semaphore(%run_scoped3A_205 : memref<!tpu.dma_semaphore, #tpu.memory_space<semaphore_mem>>) src(%arg16 : memref<80x128xf32, #tpu.memory_space<vmem>>) dst(%dma_wait3A_217 : memref<10000x128xf32, #tpu.memory_space<vmem_shared>>)
        tpu.yield
      }) : () -> ()
    }
    %scan3A_38 = arith.constant 40 : i32
    %dma_wait3A_39 = arith.constant 0 : i32
    %dma_wait3A_40 = arith.constant 0 : i32
    %dma_wait3A_41 = tpu.memref_slice %arg2[%dma_wait3A_39, %dma_wait3A_40] : memref<10000x128xf32, #tpu.memory_space<hbm>> -> memref<10000x128xf32, #tpu.memory_space<hbm>>
    tpu.wait_indirect_dma semaphore(%arg23 : memref<!tpu.dma_semaphore, #tpu.memory_space<semaphore_mem>>) src(%dma_wait3A_41 : memref<10000x128xf32, #tpu.memory_space<hbm>>) dst(%arg14 : memref<80x128xf32, #tpu.memory_space<vmem>>)
    %add3A_42 = arith.constant 9840 : i32
    %add3A_43 = arith.addi %mul3A_4, %add3A_42 : i32
    %dma_start3A_44 = tpu.memref_slice %arg3[%add3A_43] : memref<320000xi32, #tpu.memory_space<hbm>> -> memref<80xi32, #tpu.memory_space<hbm>>
    %dma_start3A_45 = tpu.memref_slice %arg3[%add3A_43] : memref<320000xi32, #tpu.memory_space<hbm>> -> memref<80xi32, #tpu.memory_space<hbm>>
    tpu.enqueue_dma source(%dma_start3A_45 : memref<80xi32, #tpu.memory_space<hbm>>) target(%arg10 : memref<80xi32, #tpu.memory_space<vmem>>) target_semaphore(%arg20 : memref<!tpu.dma_semaphore, #tpu.memory_space<semaphore_mem>>)
    %dma_wait3A_46 = tpu.memref_slice %arg3[%mul3A_4] : memref<320000xi32, #tpu.memory_space<hbm>> -> memref<80xi32, #tpu.memory_space<hbm>>
    %dma_wait3A_47 = tpu.memref_slice %arg3[%mul3A_4] : memref<320000xi32, #tpu.memory_space<hbm>> -> memref<80xi32, #tpu.memory_space<hbm>>
    tpu.wait_dma2 semaphore(%arg22 : memref<!tpu.dma_semaphore, #tpu.memory_space<semaphore_mem>>) src(%dma_wait3A_47 : memref<80xi32, #tpu.memory_space<hbm>>) dst(%arg12 : memref<80xi32, #tpu.memory_space<vmem>>)
    %dma_start3A_48 = arith.constant 0 : i32
    %dma_start3A_49 = arith.constant 0 : i32
    %dma_start3A_50 = tpu.memref_slice %arg2[%dma_start3A_48, %dma_start3A_49] : memref<10000x128xf32, #tpu.memory_space<hbm>> -> memref<10000x128xf32, #tpu.memory_space<hbm>>
    tpu.enqueue_indirect_dma source(%dma_start3A_50 : memref<10000x128xf32, #tpu.memory_space<hbm>>) target(%arg16 : memref<80x128xf32, #tpu.memory_space<vmem>>) offsets(%arg12 : memref<80xi32, #tpu.memory_space<vmem>>) semaphore(%arg25 : memref<!tpu.dma_semaphore, #tpu.memory_space<semaphore_mem>>)
    %dma_start3A_51 = arith.constant 120 : i32
    %dma_start3A_52 = arith.constant 0 : i32
    %dma_start3A_53 = tpu.memref_slice %arg13[%dma_start3A_51, %dma_start3A_52] : memref<125x80xi32, #tpu.memory_space<vmem>> -> memref<1x80xi32, #tpu.memory_space<vmem>>
    %dma_start3A_54 = tpu.memref_squeeze %dma_start3A_53 : memref<1x80xi32, #tpu.memory_space<vmem>> -> memref<80xi32, #tpu.memory_space<vmem>>
    %dma_start3A_55 = arith.constant 0 : i32
    %dma_start3A_56 = arith.constant 0 : i32
    %dma_start3A_57 = tpu.memref_slice %arg19[%dma_start3A_55, %dma_start3A_56] : memref<10000x8xf32, #tpu.memory_space<vmem_shared>> -> memref<10000x8xf32, #tpu.memory_space<vmem_shared>>
    tpu.enqueue_indirect_dma source(%arg17 : memref<80x8xf32, #tpu.memory_space<vmem>>) target(%dma_start3A_57 : memref<10000x8xf32, #tpu.memory_space<vmem_shared>>) offsets(%dma_start3A_54 : memref<80xi32, #tpu.memory_space<vmem>>) semaphore(%arg26 : memref<!tpu.dma_semaphore, #tpu.memory_space<semaphore_mem>>) {add = true}
    %run_scoped3A = arith.constant 120 : i32
    "tpu.region"() ({
      %run_scoped3A_131 = tpu.sem_alloc : memref<!tpu.dma_semaphore, #tpu.memory_space<semaphore_mem>>
      %dma_start3A_132 = arith.constant 0 : i32
      %dma_start3A_133 = tpu.memref_slice %arg13[%run_scoped3A, %dma_start3A_132] : memref<125x80xi32, #tpu.memory_space<vmem>> -> memref<1x80xi32, #tpu.memory_space<vmem>>
      %dma_start3A_134 = tpu.memref_squeeze %dma_start3A_133 : memref<1x80xi32, #tpu.memory_space<vmem>> -> memref<80xi32, #tpu.memory_space<vmem>>
      %dma_start3A_135 = arith.constant 0 : i32
      %dma_start3A_136 = arith.constant 0 : i32
      %dma_start3A_137 = tpu.memref_slice %arg18[%dma_start3A_135, %dma_start3A_136] : memref<10000x128xf32, #tpu.memory_space<vmem_shared>> -> memref<10000x128xf32, #tpu.memory_space<vmem_shared>>
      tpu.enqueue_indirect_dma source(%arg14 : memref<80x128xf32, #tpu.memory_space<vmem>>) target(%dma_start3A_137 : memref<10000x128xf32, #tpu.memory_space<vmem_shared>>) offsets(%dma_start3A_134 : memref<80xi32, #tpu.memory_space<vmem>>) semaphore(%run_scoped3A_131 : memref<!tpu.dma_semaphore, #tpu.memory_space<semaphore_mem>>) {add = true}
      %dma_wait3A_138 = arith.constant 0 : i32
      %dma_wait3A_139 = tpu.memref_slice %arg13[%run_scoped3A, %dma_wait3A_138] : memref<125x80xi32, #tpu.memory_space<vmem>> -> memref<1x80xi32, #tpu.memory_space<vmem>>
      %dma_wait3A_140 = tpu.memref_squeeze %dma_wait3A_139 : memref<1x80xi32, #tpu.memory_space<vmem>> -> memref<80xi32, #tpu.memory_space<vmem>>
      %dma_wait3A_141 = arith.constant 0 : i32
      %dma_wait3A_142 = arith.constant 0 : i32
      %dma_wait3A_143 = tpu.memref_slice %arg18[%dma_wait3A_141, %dma_wait3A_142] : memref<10000x128xf32, #tpu.memory_space<vmem_shared>> -> memref<10000x128xf32, #tpu.memory_space<vmem_shared>>
      tpu.wait_indirect_dma semaphore(%run_scoped3A_131 : memref<!tpu.dma_semaphore, #tpu.memory_space<semaphore_mem>>) src(%arg14 : memref<80x128xf32, #tpu.memory_space<vmem>>) dst(%dma_wait3A_143 : memref<10000x128xf32, #tpu.memory_space<vmem_shared>>)
      tpu.yield
    }) : () -> ()
    %dma_wait3A_58 = arith.constant 0 : i32
    %dma_wait3A_59 = arith.constant 0 : i32
    %dma_wait3A_60 = tpu.memref_slice %arg2[%dma_wait3A_58, %dma_wait3A_59] : memref<10000x128xf32, #tpu.memory_space<hbm>> -> memref<10000x128xf32, #tpu.memory_space<hbm>>
    tpu.wait_indirect_dma semaphore(%arg24 : memref<!tpu.dma_semaphore, #tpu.memory_space<semaphore_mem>>) src(%dma_wait3A_60 : memref<10000x128xf32, #tpu.memory_space<hbm>>) dst(%arg15 : memref<80x128xf32, #tpu.memory_space<vmem>>)
    %add3A_61 = arith.constant 9920 : i32
    %add3A_62 = arith.addi %mul3A_4, %add3A_61 : i32
    %dma_start3A_63 = tpu.memref_slice %arg3[%add3A_62] : memref<320000xi32, #tpu.memory_space<hbm>> -> memref<80xi32, #tpu.memory_space<hbm>>
    %dma_start3A_64 = tpu.memref_slice %arg3[%add3A_62] : memref<320000xi32, #tpu.memory_space<hbm>> -> memref<80xi32, #tpu.memory_space<hbm>>
    tpu.enqueue_dma source(%dma_start3A_64 : memref<80xi32, #tpu.memory_space<hbm>>) target(%arg11 : memref<80xi32, #tpu.memory_space<vmem>>) target_semaphore(%arg21 : memref<!tpu.dma_semaphore, #tpu.memory_space<semaphore_mem>>)
    %dma_wait3A_65 = tpu.memref_slice %arg3[%mul3A_4] : memref<320000xi32, #tpu.memory_space<hbm>> -> memref<80xi32, #tpu.memory_space<hbm>>
    %dma_wait3A_66 = tpu.memref_slice %arg3[%mul3A_4] : memref<320000xi32, #tpu.memory_space<hbm>> -> memref<80xi32, #tpu.memory_space<hbm>>
    tpu.wait_dma2 semaphore(%arg20 : memref<!tpu.dma_semaphore, #tpu.memory_space<semaphore_mem>>) src(%dma_wait3A_66 : memref<80xi32, #tpu.memory_space<hbm>>) dst(%arg10 : memref<80xi32, #tpu.memory_space<vmem>>)
    %dma_start3A_67 = arith.constant 0 : i32
    %dma_start3A_68 = arith.constant 0 : i32
    %dma_start3A_69 = tpu.memref_slice %arg2[%dma_start3A_67, %dma_start3A_68] : memref<10000x128xf32, #tpu.memory_space<hbm>> -> memref<10000x128xf32, #tpu.memory_space<hbm>>
    tpu.enqueue_indirect_dma source(%dma_start3A_69 : memref<10000x128xf32, #tpu.memory_space<hbm>>) target(%arg14 : memref<80x128xf32, #tpu.memory_space<vmem>>) offsets(%arg10 : memref<80xi32, #tpu.memory_space<vmem>>) semaphore(%arg23 : memref<!tpu.dma_semaphore, #tpu.memory_space<semaphore_mem>>)
    %dma_start3A_70 = arith.constant 121 : i32
    %dma_start3A_71 = arith.constant 0 : i32
    %dma_start3A_72 = tpu.memref_slice %arg13[%dma_start3A_70, %dma_start3A_71] : memref<125x80xi32, #tpu.memory_space<vmem>> -> memref<1x80xi32, #tpu.memory_space<vmem>>
    %dma_start3A_73 = tpu.memref_squeeze %dma_start3A_72 : memref<1x80xi32, #tpu.memory_space<vmem>> -> memref<80xi32, #tpu.memory_space<vmem>>
    %dma_start3A_74 = arith.constant 0 : i32
    %dma_start3A_75 = arith.constant 0 : i32
    %dma_start3A_76 = tpu.memref_slice %arg19[%dma_start3A_74, %dma_start3A_75] : memref<10000x8xf32, #tpu.memory_space<vmem_shared>> -> memref<10000x8xf32, #tpu.memory_space<vmem_shared>>
    tpu.enqueue_indirect_dma source(%arg17 : memref<80x8xf32, #tpu.memory_space<vmem>>) target(%dma_start3A_76 : memref<10000x8xf32, #tpu.memory_space<vmem_shared>>) offsets(%dma_start3A_73 : memref<80xi32, #tpu.memory_space<vmem>>) semaphore(%arg26 : memref<!tpu.dma_semaphore, #tpu.memory_space<semaphore_mem>>) {add = true}
    %run_scoped3A_77 = arith.constant 121 : i32
    "tpu.region"() ({
      %run_scoped3A_131 = tpu.sem_alloc : memref<!tpu.dma_semaphore, #tpu.memory_space<semaphore_mem>>
      %dma_start3A_132 = arith.constant 0 : i32
      %dma_start3A_133 = tpu.memref_slice %arg13[%run_scoped3A_77, %dma_start3A_132] : memref<125x80xi32, #tpu.memory_space<vmem>> -> memref<1x80xi32, #tpu.memory_space<vmem>>
      %dma_start3A_134 = tpu.memref_squeeze %dma_start3A_133 : memref<1x80xi32, #tpu.memory_space<vmem>> -> memref<80xi32, #tpu.memory_space<vmem>>
      %dma_start3A_135 = arith.constant 0 : i32
      %dma_start3A_136 = arith.constant 0 : i32
      %dma_start3A_137 = tpu.memref_slice %arg18[%dma_start3A_135, %dma_start3A_136] : memref<10000x128xf32, #tpu.memory_space<vmem_shared>> -> memref<10000x128xf32, #tpu.memory_space<vmem_shared>>
      tpu.enqueue_indirect_dma source(%arg15 : memref<80x128xf32, #tpu.memory_space<vmem>>) target(%dma_start3A_137 : memref<10000x128xf32, #tpu.memory_space<vmem_shared>>) offsets(%dma_start3A_134 : memref<80xi32, #tpu.memory_space<vmem>>) semaphore(%run_scoped3A_131 : memref<!tpu.dma_semaphore, #tpu.memory_space<semaphore_mem>>) {add = true}
      %dma_wait3A_138 = arith.constant 0 : i32
      %dma_wait3A_139 = tpu.memref_slice %arg13[%run_scoped3A_77, %dma_wait3A_138] : memref<125x80xi32, #tpu.memory_space<vmem>> -> memref<1x80xi32, #tpu.memory_space<vmem>>
      %dma_wait3A_140 = tpu.memref_squeeze %dma_wait3A_139 : memref<1x80xi32, #tpu.memory_space<vmem>> -> memref<80xi32, #tpu.memory_space<vmem>>
      %dma_wait3A_141 = arith.constant 0 : i32
      %dma_wait3A_142 = arith.constant 0 : i32
      %dma_wait3A_143 = tpu.memref_slice %arg18[%dma_wait3A_141, %dma_wait3A_142] : memref<10000x128xf32, #tpu.memory_space<vmem_shared>> -> memref<10000x128xf32, #tpu.memory_space<vmem_shared>>
      tpu.wait_indirect_dma semaphore(%run_scoped3A_131 : memref<!tpu.dma_semaphore, #tpu.memory_space<semaphore_mem>>) src(%arg15 : memref<80x128xf32, #tpu.memory_space<vmem>>) dst(%dma_wait3A_143 : memref<10000x128xf32, #tpu.memory_space<vmem_shared>>)
      tpu.yield
    }) : () -> ()
    %dma_wait3A_78 = arith.constant 0 : i32
    %dma_wait3A_79 = arith.constant 0 : i32
    %dma_wait3A_80 = tpu.memref_slice %arg2[%dma_wait3A_78, %dma_wait3A_79] : memref<10000x128xf32, #tpu.memory_space<hbm>> -> memref<10000x128xf32, #tpu.memory_space<hbm>>
    tpu.wait_indirect_dma semaphore(%arg25 : memref<!tpu.dma_semaphore, #tpu.memory_space<semaphore_mem>>) src(%dma_wait3A_80 : memref<10000x128xf32, #tpu.memory_space<hbm>>) dst(%arg16 : memref<80x128xf32, #tpu.memory_space<vmem>>)
    %dma_wait3A_81 = tpu.memref_slice %arg3[%mul3A_4] : memref<320000xi32, #tpu.memory_space<hbm>> -> memref<80xi32, #tpu.memory_space<hbm>>
    %dma_wait3A_82 = tpu.memref_slice %arg3[%mul3A_4] : memref<320000xi32, #tpu.memory_space<hbm>> -> memref<80xi32, #tpu.memory_space<hbm>>
    tpu.wait_dma2 semaphore(%arg21 : memref<!tpu.dma_semaphore, #tpu.memory_space<semaphore_mem>>) src(%dma_wait3A_82 : memref<80xi32, #tpu.memory_space<hbm>>) dst(%arg11 : memref<80xi32, #tpu.memory_space<vmem>>)
    %dma_start3A_83 = arith.constant 0 : i32
    %dma_start3A_84 = arith.constant 0 : i32
    %dma_start3A_85 = tpu.memref_slice %arg2[%dma_start3A_83, %dma_start3A_84] : memref<10000x128xf32, #tpu.memory_space<hbm>> -> memref<10000x128xf32, #tpu.memory_space<hbm>>
    tpu.enqueue_indirect_dma source(%dma_start3A_85 : memref<10000x128xf32, #tpu.memory_space<hbm>>) target(%arg15 : memref<80x128xf32, #tpu.memory_space<vmem>>) offsets(%arg11 : memref<80xi32, #tpu.memory_space<vmem>>) semaphore(%arg24 : memref<!tpu.dma_semaphore, #tpu.memory_space<semaphore_mem>>)
    %dma_start3A_86 = arith.constant 122 : i32
    %dma_start3A_87 = arith.constant 0 : i32
    %dma_start3A_88 = tpu.memref_slice %arg13[%dma_start3A_86, %dma_start3A_87] : memref<125x80xi32, #tpu.memory_space<vmem>> -> memref<1x80xi32, #tpu.memory_space<vmem>>
    %dma_start3A_89 = tpu.memref_squeeze %dma_start3A_88 : memref<1x80xi32, #tpu.memory_space<vmem>> -> memref<80xi32, #tpu.memory_space<vmem>>
    %dma_start3A_90 = arith.constant 0 : i32
    %dma_start3A_91 = arith.constant 0 : i32
    %dma_start3A_92 = tpu.memref_slice %arg19[%dma_start3A_90, %dma_start3A_91] : memref<10000x8xf32, #tpu.memory_space<vmem_shared>> -> memref<10000x8xf32, #tpu.memory_space<vmem_shared>>
    tpu.enqueue_indirect_dma source(%arg17 : memref<80x8xf32, #tpu.memory_space<vmem>>) target(%dma_start3A_92 : memref<10000x8xf32, #tpu.memory_space<vmem_shared>>) offsets(%dma_start3A_89 : memref<80xi32, #tpu.memory_space<vmem>>) semaphore(%arg26 : memref<!tpu.dma_semaphore, #tpu.memory_space<semaphore_mem>>) {add = true}
    %run_scoped3A_93 = arith.constant 122 : i32
    "tpu.region"() ({
      %run_scoped3A_131 = tpu.sem_alloc : memref<!tpu.dma_semaphore, #tpu.memory_space<semaphore_mem>>
      %dma_start3A_132 = arith.constant 0 : i32
      %dma_start3A_133 = tpu.memref_slice %arg13[%run_scoped3A_93, %dma_start3A_132] : memref<125x80xi32, #tpu.memory_space<vmem>> -> memref<1x80xi32, #tpu.memory_space<vmem>>
      %dma_start3A_134 = tpu.memref_squeeze %dma_start3A_133 : memref<1x80xi32, #tpu.memory_space<vmem>> -> memref<80xi32, #tpu.memory_space<vmem>>
      %dma_start3A_135 = arith.constant 0 : i32
      %dma_start3A_136 = arith.constant 0 : i32
      %dma_start3A_137 = tpu.memref_slice %arg18[%dma_start3A_135, %dma_start3A_136] : memref<10000x128xf32, #tpu.memory_space<vmem_shared>> -> memref<10000x128xf32, #tpu.memory_space<vmem_shared>>
      tpu.enqueue_indirect_dma source(%arg16 : memref<80x128xf32, #tpu.memory_space<vmem>>) target(%dma_start3A_137 : memref<10000x128xf32, #tpu.memory_space<vmem_shared>>) offsets(%dma_start3A_134 : memref<80xi32, #tpu.memory_space<vmem>>) semaphore(%run_scoped3A_131 : memref<!tpu.dma_semaphore, #tpu.memory_space<semaphore_mem>>) {add = true}
      %dma_wait3A_138 = arith.constant 0 : i32
      %dma_wait3A_139 = tpu.memref_slice %arg13[%run_scoped3A_93, %dma_wait3A_138] : memref<125x80xi32, #tpu.memory_space<vmem>> -> memref<1x80xi32, #tpu.memory_space<vmem>>
      %dma_wait3A_140 = tpu.memref_squeeze %dma_wait3A_139 : memref<1x80xi32, #tpu.memory_space<vmem>> -> memref<80xi32, #tpu.memory_space<vmem>>
      %dma_wait3A_141 = arith.constant 0 : i32
      %dma_wait3A_142 = arith.constant 0 : i32
      %dma_wait3A_143 = tpu.memref_slice %arg18[%dma_wait3A_141, %dma_wait3A_142] : memref<10000x128xf32, #tpu.memory_space<vmem_shared>> -> memref<10000x128xf32, #tpu.memory_space<vmem_shared>>
      tpu.wait_indirect_dma semaphore(%run_scoped3A_131 : memref<!tpu.dma_semaphore, #tpu.memory_space<semaphore_mem>>) src(%arg16 : memref<80x128xf32, #tpu.memory_space<vmem>>) dst(%dma_wait3A_143 : memref<10000x128xf32, #tpu.memory_space<vmem_shared>>)
      tpu.yield
    }) : () -> ()
    %dma_wait3A_94 = arith.constant 0 : i32
    %dma_wait3A_95 = arith.constant 0 : i32
    %dma_wait3A_96 = tpu.memref_slice %arg2[%dma_wait3A_94, %dma_wait3A_95] : memref<10000x128xf32, #tpu.memory_space<hbm>> -> memref<10000x128xf32, #tpu.memory_space<hbm>>
    tpu.wait_indirect_dma semaphore(%arg23 : memref<!tpu.dma_semaphore, #tpu.memory_space<semaphore_mem>>) src(%dma_wait3A_96 : memref<10000x128xf32, #tpu.memory_space<hbm>>) dst(%arg14 : memref<80x128xf32, #tpu.memory_space<vmem>>)
    %dma_start3A_97 = arith.constant 123 : i32
    %dma_start3A_98 = arith.constant 0 : i32
    %dma_start3A_99 = tpu.memref_slice %arg13[%dma_start3A_97, %dma_start3A_98] : memref<125x80xi32, #tpu.memory_space<vmem>> -> memref<1x80xi32, #tpu.memory_space<vmem>>
    %dma_start3A_100 = tpu.memref_squeeze %dma_start3A_99 : memref<1x80xi32, #tpu.memory_space<vmem>> -> memref<80xi32, #tpu.memory_space<vmem>>
    %dma_start3A_101 = arith.constant 0 : i32
    %dma_start3A_102 = arith.constant 0 : i32
    %dma_start3A_103 = tpu.memref_slice %arg19[%dma_start3A_101, %dma_start3A_102] : memref<10000x8xf32, #tpu.memory_space<vmem_shared>> -> memref<10000x8xf32, #tpu.memory_space<vmem_shared>>
    tpu.enqueue_indirect_dma source(%arg17 : memref<80x8xf32, #tpu.memory_space<vmem>>) target(%dma_start3A_103 : memref<10000x8xf32, #tpu.memory_space<vmem_shared>>) offsets(%dma_start3A_100 : memref<80xi32, #tpu.memory_space<vmem>>) semaphore(%arg26 : memref<!tpu.dma_semaphore, #tpu.memory_space<semaphore_mem>>) {add = true}
    %run_scoped3A_104 = arith.constant 123 : i32
    "tpu.region"() ({
      %run_scoped3A_131 = tpu.sem_alloc : memref<!tpu.dma_semaphore, #tpu.memory_space<semaphore_mem>>
      %dma_start3A_132 = arith.constant 0 : i32
      %dma_start3A_133 = tpu.memref_slice %arg13[%run_scoped3A_104, %dma_start3A_132] : memref<125x80xi32, #tpu.memory_space<vmem>> -> memref<1x80xi32, #tpu.memory_space<vmem>>
      %dma_start3A_134 = tpu.memref_squeeze %dma_start3A_133 : memref<1x80xi32, #tpu.memory_space<vmem>> -> memref<80xi32, #tpu.memory_space<vmem>>
      %dma_start3A_135 = arith.constant 0 : i32
      %dma_start3A_136 = arith.constant 0 : i32
      %dma_start3A_137 = tpu.memref_slice %arg18[%dma_start3A_135, %dma_start3A_136] : memref<10000x128xf32, #tpu.memory_space<vmem_shared>> -> memref<10000x128xf32, #tpu.memory_space<vmem_shared>>
      tpu.enqueue_indirect_dma source(%arg14 : memref<80x128xf32, #tpu.memory_space<vmem>>) target(%dma_start3A_137 : memref<10000x128xf32, #tpu.memory_space<vmem_shared>>) offsets(%dma_start3A_134 : memref<80xi32, #tpu.memory_space<vmem>>) semaphore(%run_scoped3A_131 : memref<!tpu.dma_semaphore, #tpu.memory_space<semaphore_mem>>) {add = true}
      %dma_wait3A_138 = arith.constant 0 : i32
      %dma_wait3A_139 = tpu.memref_slice %arg13[%run_scoped3A_104, %dma_wait3A_138] : memref<125x80xi32, #tpu.memory_space<vmem>> -> memref<1x80xi32, #tpu.memory_space<vmem>>
      %dma_wait3A_140 = tpu.memref_squeeze %dma_wait3A_139 : memref<1x80xi32, #tpu.memory_space<vmem>> -> memref<80xi32, #tpu.memory_space<vmem>>
      %dma_wait3A_141 = arith.constant 0 : i32
      %dma_wait3A_142 = arith.constant 0 : i32
      %dma_wait3A_143 = tpu.memref_slice %arg18[%dma_wait3A_141, %dma_wait3A_142] : memref<10000x128xf32, #tpu.memory_space<vmem_shared>> -> memref<10000x128xf32, #tpu.memory_space<vmem_shared>>
      tpu.wait_indirect_dma semaphore(%run_scoped3A_131 : memref<!tpu.dma_semaphore, #tpu.memory_space<semaphore_mem>>) src(%arg14 : memref<80x128xf32, #tpu.memory_space<vmem>>) dst(%dma_wait3A_143 : memref<10000x128xf32, #tpu.memory_space<vmem_shared>>)
      tpu.yield
    }) : () -> ()
    %dma_wait3A_105 = arith.constant 0 : i32
    %dma_wait3A_106 = arith.constant 0 : i32
    %dma_wait3A_107 = tpu.memref_slice %arg2[%dma_wait3A_105, %dma_wait3A_106] : memref<10000x128xf32, #tpu.memory_space<hbm>> -> memref<10000x128xf32, #tpu.memory_space<hbm>>
    tpu.wait_indirect_dma semaphore(%arg24 : memref<!tpu.dma_semaphore, #tpu.memory_space<semaphore_mem>>) src(%dma_wait3A_107 : memref<10000x128xf32, #tpu.memory_space<hbm>>) dst(%arg15 : memref<80x128xf32, #tpu.memory_space<vmem>>)
    %dma_start3A_108 = arith.constant 124 : i32
    %dma_start3A_109 = arith.constant 0 : i32
    %dma_start3A_110 = tpu.memref_slice %arg13[%dma_start3A_108, %dma_start3A_109] : memref<125x80xi32, #tpu.memory_space<vmem>> -> memref<1x80xi32, #tpu.memory_space<vmem>>
    %dma_start3A_111 = tpu.memref_squeeze %dma_start3A_110 : memref<1x80xi32, #tpu.memory_space<vmem>> -> memref<80xi32, #tpu.memory_space<vmem>>
    %dma_start3A_112 = arith.constant 0 : i32
    %dma_start3A_113 = arith.constant 0 : i32
    %dma_start3A_114 = tpu.memref_slice %arg19[%dma_start3A_112, %dma_start3A_113] : memref<10000x8xf32, #tpu.memory_space<vmem_shared>> -> memref<10000x8xf32, #tpu.memory_space<vmem_shared>>
    tpu.enqueue_indirect_dma source(%arg17 : memref<80x8xf32, #tpu.memory_space<vmem>>) target(%dma_start3A_114 : memref<10000x8xf32, #tpu.memory_space<vmem_shared>>) offsets(%dma_start3A_111 : memref<80xi32, #tpu.memory_space<vmem>>) semaphore(%arg26 : memref<!tpu.dma_semaphore, #tpu.memory_space<semaphore_mem>>) {add = true}
    %run_scoped3A_115 = arith.constant 124 : i32
    "tpu.region"() ({
      %run_scoped3A_131 = tpu.sem_alloc : memref<!tpu.dma_semaphore, #tpu.memory_space<semaphore_mem>>
      %dma_start3A_132 = arith.constant 0 : i32
      %dma_start3A_133 = tpu.memref_slice %arg13[%run_scoped3A_115, %dma_start3A_132] : memref<125x80xi32, #tpu.memory_space<vmem>> -> memref<1x80xi32, #tpu.memory_space<vmem>>
      %dma_start3A_134 = tpu.memref_squeeze %dma_start3A_133 : memref<1x80xi32, #tpu.memory_space<vmem>> -> memref<80xi32, #tpu.memory_space<vmem>>
      %dma_start3A_135 = arith.constant 0 : i32
      %dma_start3A_136 = arith.constant 0 : i32
      %dma_start3A_137 = tpu.memref_slice %arg18[%dma_start3A_135, %dma_start3A_136] : memref<10000x128xf32, #tpu.memory_space<vmem_shared>> -> memref<10000x128xf32, #tpu.memory_space<vmem_shared>>
      tpu.enqueue_indirect_dma source(%arg15 : memref<80x128xf32, #tpu.memory_space<vmem>>) target(%dma_start3A_137 : memref<10000x128xf32, #tpu.memory_space<vmem_shared>>) offsets(%dma_start3A_134 : memref<80xi32, #tpu.memory_space<vmem>>) semaphore(%run_scoped3A_131 : memref<!tpu.dma_semaphore, #tpu.memory_space<semaphore_mem>>) {add = true}
      %dma_wait3A_138 = arith.constant 0 : i32
      %dma_wait3A_139 = tpu.memref_slice %arg13[%run_scoped3A_115, %dma_wait3A_138] : memref<125x80xi32, #tpu.memory_space<vmem>> -> memref<1x80xi32, #tpu.memory_space<vmem>>
      %dma_wait3A_140 = tpu.memref_squeeze %dma_wait3A_139 : memref<1x80xi32, #tpu.memory_space<vmem>> -> memref<80xi32, #tpu.memory_space<vmem>>
      %dma_wait3A_141 = arith.constant 0 : i32
      %dma_wait3A_142 = arith.constant 0 : i32
      %dma_wait3A_143 = tpu.memref_slice %arg18[%dma_wait3A_141, %dma_wait3A_142] : memref<10000x128xf32, #tpu.memory_space<vmem_shared>> -> memref<10000x128xf32, #tpu.memory_space<vmem_shared>>
      tpu.wait_indirect_dma semaphore(%run_scoped3A_131 : memref<!tpu.dma_semaphore, #tpu.memory_space<semaphore_mem>>) src(%arg15 : memref<80x128xf32, #tpu.memory_space<vmem>>) dst(%dma_wait3A_143 : memref<10000x128xf32, #tpu.memory_space<vmem_shared>>)
      tpu.yield
    }) : () -> ()
    %scan3A_116 = arith.constant 0 : i32
    %scan3A_117 = arith.constant 125 : i32
    %scan3A_118 = arith.addi %scan3A_116, %scan3A_117 : i32
    %scan3A_119 = arith.constant 1 : i32
    scf.for %scan3A_131 = %scan3A_116 to %scan3A_118 step %scan3A_119  : i32 {
      %mul3A_132 = arith.constant 1 : i32
      %mul3A_133 = arith.muli %scan3A_131, %mul3A_132 : i32
      %add3A_134 = arith.constant 0 : i32
      %add3A_135 = arith.addi %add3A_134, %mul3A_133 : i32
      %dma_wait3A_136 = arith.constant 0 : i32
      %dma_wait3A_137 = arith.constant 0 : i32
      %dma_wait3A_138 = tpu.memref_slice %arg13[%dma_wait3A_136, %dma_wait3A_137] : memref<125x80xi32, #tpu.memory_space<vmem>> -> memref<1x80xi32, #tpu.memory_space<vmem>>
      %dma_wait3A_139 = tpu.memref_squeeze %dma_wait3A_138 : memref<1x80xi32, #tpu.memory_space<vmem>> -> memref<80xi32, #tpu.memory_space<vmem>>
      %dma_wait3A_140 = arith.constant 0 : i32
      %dma_wait3A_141 = arith.constant 0 : i32
      %dma_wait3A_142 = tpu.memref_slice %arg19[%dma_wait3A_140, %dma_wait3A_141] : memref<10000x8xf32, #tpu.memory_space<vmem_shared>> -> memref<10000x8xf32, #tpu.memory_space<vmem_shared>>
      tpu.wait_indirect_dma semaphore(%arg26 : memref<!tpu.dma_semaphore, #tpu.memory_space<semaphore_mem>>) src(%arg17 : memref<80x8xf32, #tpu.memory_space<vmem>>) dst(%dma_wait3A_142 : memref<10000x8xf32, #tpu.memory_space<vmem_shared>>)
    }
    %scan3A_120 = arith.constant 125 : i32
    %barrier3A_121 = arith.constant 0 : index
    tpu.barrier barrier_id(%barrier3A_121)
    %mul3A_122 = arith.constant 10000 : i32
    %mul3A_123 = arith.muli %arg0, %mul3A_122 : i32
    %mul3A_124 = arith.constant 625 : i32
    %mul3A_125 = arith.muli %arg1, %mul3A_124 : i32
    %add3A_126 = arith.addi %mul3A_123, %mul3A_125 : i32
    %mul3A_127 = arith.constant 625 : i32
    %mul3A_128 = arith.muli %arg1, %mul3A_127 : i32
    "tpu.region"() ({
      %run_scoped3A_131 = tpu.sem_alloc : memref<!tpu.dma_semaphore, #tpu.memory_space<semaphore_mem>>
      %dma_start3A_132 = arith.constant 0 : i32
      %dma_start3A_133 = tpu.memref_slice %arg8[%add3A_126, %dma_start3A_132] : memref<20000x128xf32, #tpu.memory_space<hbm>> -> memref<625x128xf32, #tpu.memory_space<hbm>>
      %dma_start3A_134 = arith.constant 0 : i32
      %dma_start3A_135 = tpu.memref_slice %arg18[%mul3A_128, %dma_start3A_134] : memref<10000x128xf32, #tpu.memory_space<vmem_shared>> -> memref<625x128xf32, #tpu.memory_space<vmem_shared>>
      tpu.enqueue_dma source(%dma_start3A_135 : memref<625x128xf32, #tpu.memory_space<vmem_shared>>) target(%dma_start3A_133 : memref<625x128xf32, #tpu.memory_space<hbm>>) target_semaphore(%run_scoped3A_131 : memref<!tpu.dma_semaphore, #tpu.memory_space<semaphore_mem>>)
      %dma_wait3A_136 = arith.constant 0 : i32
      %dma_wait3A_137 = tpu.memref_slice %arg8[%add3A_126, %dma_wait3A_136] : memref<20000x128xf32, #tpu.memory_space<hbm>> -> memref<625x128xf32, #tpu.memory_space<hbm>>
      %dma_wait3A_138 = arith.constant 0 : i32
      %dma_wait3A_139 = tpu.memref_slice %arg18[%mul3A_128, %dma_wait3A_138] : memref<10000x128xf32, #tpu.memory_space<vmem_shared>> -> memref<625x128xf32, #tpu.memory_space<vmem_shared>>
      tpu.wait_dma2 semaphore(%run_scoped3A_131 : memref<!tpu.dma_semaphore, #tpu.memory_space<semaphore_mem>>) src(%dma_wait3A_139 : memref<625x128xf32, #tpu.memory_space<vmem_shared>>) dst(%dma_wait3A_137 : memref<625x128xf32, #tpu.memory_space<hbm>>)
      tpu.yield
    }) : () -> ()
    %mul3A_129 = arith.constant 625 : i32
    %mul3A_130 = arith.muli %arg1, %mul3A_129 : i32
    "tpu.region"() ({
      %run_scoped3A_131 = tpu.sem_alloc : memref<!tpu.dma_semaphore, #tpu.memory_space<semaphore_mem>>
      %dma_start3A_132 = arith.constant 0 : i32
      %dma_start3A_133 = tpu.memref_slice %arg9[%add3A_126, %dma_start3A_132] : memref<20000x8xf32, #tpu.memory_space<hbm>> -> memref<625x8xf32, #tpu.memory_space<hbm>>
      %dma_start3A_134 = arith.constant 0 : i32
      %dma_start3A_135 = tpu.memref_slice %arg19[%mul3A_130, %dma_start3A_134] : memref<10000x8xf32, #tpu.memory_space<vmem_shared>> -> memref<625x8xf32, #tpu.memory_space<vmem_shared>>
      tpu.enqueue_dma source(%dma_start3A_135 : memref<625x8xf32, #tpu.memory_space<vmem_shared>>) target(%dma_start3A_133 : memref<625x8xf32, #tpu.memory_space<hbm>>) target_semaphore(%run_scoped3A_131 : memref<!tpu.dma_semaphore, #tpu.memory_space<semaphore_mem>>)
      %dma_wait3A_136 = arith.constant 0 : i32
      %dma_wait3A_137 = tpu.memref_slice %arg9[%add3A_126, %dma_wait3A_136] : memref<20000x8xf32, #tpu.memory_space<hbm>> -> memref<625x8xf32, #tpu.memory_space<hbm>>
      %dma_wait3A_138 = arith.constant 0 : i32
      %dma_wait3A_139 = tpu.memref_slice %arg19[%mul3A_130, %dma_wait3A_138] : memref<10000x8xf32, #tpu.memory_space<vmem_shared>> -> memref<625x8xf32, #tpu.memory_space<vmem_shared>>
      tpu.wait_dma2 semaphore(%run_scoped3A_131 : memref<!tpu.dma_semaphore, #tpu.memory_space<semaphore_mem>>) src(%dma_wait3A_139 : memref<625x8xf32, #tpu.memory_space<vmem_shared>>) dst(%dma_wait3A_137 : memref<625x8xf32, #tpu.memory_space<hbm>>)
      tpu.yield
    }) : () -> ()
    return
  }
}

module attributes {stable_mosaic.version = 14 : i64} {
  func.func @body(%arg0: i32, %arg1: memref<2000x128xf32, #tpu.memory_space<vmem>>, %arg2: memref<2000x128xf32, #tpu.memory_space<vmem>>, %arg3: memref<2000x128xf32, #tpu.memory_space<vmem>>, %arg4: memref<2000x8xf32, #tpu.memory_space<vmem>>, %arg5: memref<2000x8xf32, #tpu.memory_space<vmem>>, %arg6: memref<128x128xf32, #tpu.memory_space<vmem>>, %arg7: memref<1x128xf32, #tpu.memory_space<vmem>>, %arg8: memref<128x128xf32, #tpu.memory_space<vmem>>, %arg9: memref<128x64xf32, #tpu.memory_space<vmem>>, %arg10: memref<1x64xf32, #tpu.memory_space<vmem>>, %arg11: memref<2000x64xf32, #tpu.memory_space<vmem>>) attributes {dimension_semantics = [#tpu.dimension_semantics<arbitrary>], iteration_bounds = array<i64: 5>, scalar_prefetch = 0 : i64, scratch_operands = 0 : i64, tpu.core_type = #tpu.core_type<tc>, window_params = [{transform_indices = @transform_0, window_bounds = array<i64: 2000, 128>}, {transform_indices = @transform_1, window_bounds = array<i64: 2000, 128>}, {transform_indices = @transform_2, window_bounds = array<i64: 2000, 128>}, {transform_indices = @transform_3, window_bounds = array<i64: 2000, 8>}, {transform_indices = @transform_4, window_bounds = array<i64: 2000, 8>}, {pipeline_mode = #tpu.pipeline_mode<synchronous>, transform_indices = @transform_5, window_bounds = array<i64: 128, 128>}, {pipeline_mode = #tpu.pipeline_mode<synchronous>, transform_indices = @transform_6, window_bounds = array<i64: 1, 128>}, {pipeline_mode = #tpu.pipeline_mode<synchronous>, transform_indices = @transform_7, window_bounds = array<i64: 128, 128>}, {pipeline_mode = #tpu.pipeline_mode<synchronous>, transform_indices = @transform_8, window_bounds = array<i64: 128, 64>}, {pipeline_mode = #tpu.pipeline_mode<synchronous>, transform_indices = @transform_9, window_bounds = array<i64: 1, 64>}, {transform_indices = @transform_10, window_bounds = array<i64: 2000, 64>}]} {
    %get3A = arith.constant 0 : index
    %get3A_0 = arith.constant 0 : index
    %get3A_1 = vector.load %arg2[%get3A, %get3A_0] : memref<2000x128xf32, #tpu.memory_space<vmem>>, vector<2000x128xf32>
    %get3A_2 = arith.constant 0 : index
    %get3A_3 = arith.constant 0 : index
    %get3A_4 = vector.load %arg3[%get3A_2, %get3A_3] : memref<2000x128xf32, #tpu.memory_space<vmem>>, vector<2000x128xf32>
    %add3A = arith.addf %get3A_1, %get3A_4 : vector<2000x128xf32>
    %get3A_5 = arith.constant 0 : index
    %get3A_6 = arith.constant 0 : index
    %get3A_7 = vector.load %arg4[%get3A_5, %get3A_6] : memref<2000x8xf32, #tpu.memory_space<vmem>>, vector<2000x8xf32>
    %slice3A = vector.extract_strided_slice %get3A_7 {offsets = [0, 0], sizes = [2000, 1], strides = [1, 1]} : vector<2000x8xf32> to vector<2000x1xf32>
    %get3A_8 = arith.constant 0 : index
    %get3A_9 = arith.constant 0 : index
    %get3A_10 = vector.load %arg5[%get3A_8, %get3A_9] : memref<2000x8xf32, #tpu.memory_space<vmem>>, vector<2000x8xf32>
    %slice3A_11 = vector.extract_strided_slice %get3A_10 {offsets = [0, 0], sizes = [2000, 1], strides = [1, 1]} : vector<2000x8xf32> to vector<2000x1xf32>
    %add3A_12 = arith.addf %slice3A, %slice3A_11 : vector<2000x1xf32>
    %max3A = arith.constant 1.000000e+00 : f32
    %max3A_13 = vector.broadcast %max3A : f32 to vector<2000x1xf32>
    %max3A_14 = arith.maximumf %add3A_12, %max3A_13 : vector<2000x1xf32>
    %div3A = vector.broadcast %max3A_14 : vector<2000x1xf32> to vector<2000x128xf32>
    %div3A_15 = arith.divf %add3A, %div3A : vector<2000x128xf32>
    %get3A_16 = arith.constant 0 : index
    %get3A_17 = arith.constant 0 : index
    %get3A_18 = vector.load %arg6[%get3A_16, %get3A_17] : memref<128x128xf32, #tpu.memory_space<vmem>>, vector<128x128xf32>
    %dot_general3A = arith.constant dense<0.000000e+00> : vector<2000x128xf32>
    %dot_general3A_19 = tpu.matmul %div3A_15, %get3A_18, %dot_general3A {dimension_numbers = #tpu.dot_dimension_numbers<[1], [0], [0], [1], [0, 0, 1, 1], [], []>, transpose_lhs_hint = false} : vector<2000x128xf32>, vector<128x128xf32>, vector<2000x128xf32> -> vector<2000x128xf32>
    %get3A_20 = arith.constant 0 : index
    %get3A_21 = arith.constant 0 : index
    %get3A_22 = vector.load %arg1[%get3A_20, %get3A_21] : memref<2000x128xf32, #tpu.memory_space<vmem>>, vector<2000x128xf32>
    %get3A_23 = arith.constant 0 : index
    %get3A_24 = arith.constant 0 : index
    %get3A_25 = vector.load %arg8[%get3A_23, %get3A_24] : memref<128x128xf32, #tpu.memory_space<vmem>>, vector<128x128xf32>
    %dot_general3A_26 = arith.constant dense<0.000000e+00> : vector<2000x128xf32>
    %dot_general3A_27 = tpu.matmul %get3A_22, %get3A_25, %dot_general3A_26 {dimension_numbers = #tpu.dot_dimension_numbers<[1], [0], [0], [1], [0, 0, 1, 1], [], []>, transpose_lhs_hint = false} : vector<2000x128xf32>, vector<128x128xf32>, vector<2000x128xf32> -> vector<2000x128xf32>
    %add3A_28 = arith.addf %dot_general3A_19, %dot_general3A_27 : vector<2000x128xf32>
    %get3A_29 = arith.constant 0 : index
    %get3A_30 = arith.constant 0 : index
    %get3A_31 = vector.load %arg7[%get3A_29, %get3A_30] : memref<1x128xf32, #tpu.memory_space<vmem>>, vector<1x128xf32>
    %add3A_32 = vector.broadcast %get3A_31 : vector<1x128xf32> to vector<2000x128xf32>
    %add3A_33 = arith.addf %add3A_28, %add3A_32 : vector<2000x128xf32>
    %max3A_34 = arith.constant 0.000000e+00 : f32
    %max3A_35 = vector.broadcast %max3A_34 : f32 to vector<2000x128xf32>
    %max3A_36 = arith.maximumf %add3A_33, %max3A_35 : vector<2000x128xf32>
    %get3A_37 = arith.constant 0 : index
    %get3A_38 = arith.constant 0 : index
    %get3A_39 = vector.load %arg9[%get3A_37, %get3A_38] : memref<128x64xf32, #tpu.memory_space<vmem>>, vector<128x64xf32>
    %dot_general3A_40 = arith.constant dense<0.000000e+00> : vector<2000x64xf32>
    %dot_general3A_41 = tpu.matmul %max3A_36, %get3A_39, %dot_general3A_40 {dimension_numbers = #tpu.dot_dimension_numbers<[1], [0], [0], [1], [0, 0, 1, 1], [], []>, transpose_lhs_hint = false} : vector<2000x128xf32>, vector<128x64xf32>, vector<2000x64xf32> -> vector<2000x64xf32>
    %get3A_42 = arith.constant 0 : index
    %get3A_43 = arith.constant 0 : index
    %get3A_44 = vector.load %arg10[%get3A_42, %get3A_43] : memref<1x64xf32, #tpu.memory_space<vmem>>, vector<1x64xf32>
    %add3A_45 = vector.broadcast %get3A_44 : vector<1x64xf32> to vector<2000x64xf32>
    %add3A_46 = arith.addf %dot_general3A_41, %add3A_45 : vector<2000x64xf32>
    %max3A_47 = arith.constant 0.000000e+00 : f32
    %max3A_48 = vector.broadcast %max3A_47 : f32 to vector<2000x64xf32>
    %max3A_49 = arith.maximumf %add3A_46, %max3A_48 : vector<2000x64xf32>
    %swap3A = arith.constant 0 : index
    %swap3A_50 = arith.constant 0 : index
    %swap3A_51 = vector.load %arg11[%swap3A, %swap3A_50] : memref<2000x64xf32, #tpu.memory_space<vmem>>, vector<2000x64xf32>
    tpu.vector_store %arg11[%swap3A, %swap3A_50], %max3A_49 {strides = array<i32>} : memref<2000x64xf32, #tpu.memory_space<vmem>>, vector<2000x64xf32>,
    return
  }
  func.func @transform_0(%arg0: i32) -> (i32, i32) {
    %c0_i32 = arith.constant 0 : i32
    %c0_i32_0 = arith.constant 0 : i32
    return %arg0, %c0_i32 : i32, i32
  }
  func.func @transform_1(%arg0: i32) -> (i32, i32) {
    %c0_i32 = arith.constant 0 : i32
    %c0_i32_0 = arith.constant 0 : i32
    return %arg0, %c0_i32 : i32, i32
  }
  func.func @transform_2(%arg0: i32) -> (i32, i32) {
    %add3A = arith.constant 5 : i32
    %add3A_0 = arith.addi %arg0, %add3A : i32
    %c0_i32 = arith.constant 0 : i32
    %c0_i32_1 = arith.constant 0 : i32
    return %add3A_0, %c0_i32 : i32, i32
  }
  func.func @transform_3(%arg0: i32) -> (i32, i32) {
    %c0_i32 = arith.constant 0 : i32
    %c0_i32_0 = arith.constant 0 : i32
    return %arg0, %c0_i32 : i32, i32
  }
  func.func @transform_4(%arg0: i32) -> (i32, i32) {
    %add3A = arith.constant 5 : i32
    %add3A_0 = arith.addi %arg0, %add3A : i32
    %c0_i32 = arith.constant 0 : i32
    %c0_i32_1 = arith.constant 0 : i32
    return %add3A_0, %c0_i32 : i32, i32
  }
  func.func @transform_5(%arg0: i32) -> (i32, i32) {
    %c0_i32 = arith.constant 0 : i32
    %c0_i32_0 = arith.constant 0 : i32
    %c0_i32_1 = arith.constant 0 : i32
    return %c0_i32, %c0_i32_0 : i32, i32
  }
  func.func @transform_6(%arg0: i32) -> (i32, i32) {
    %c0_i32 = arith.constant 0 : i32
    %c0_i32_0 = arith.constant 0 : i32
    %c0_i32_1 = arith.constant 0 : i32
    return %c0_i32, %c0_i32_0 : i32, i32
  }
  func.func @transform_7(%arg0: i32) -> (i32, i32) {
    %c0_i32 = arith.constant 0 : i32
    %c0_i32_0 = arith.constant 0 : i32
    %c0_i32_1 = arith.constant 0 : i32
    return %c0_i32, %c0_i32_0 : i32, i32
  }
  func.func @transform_8(%arg0: i32) -> (i32, i32) {
    %c0_i32 = arith.constant 0 : i32
    %c0_i32_0 = arith.constant 0 : i32
    %c0_i32_1 = arith.constant 0 : i32
    return %c0_i32, %c0_i32_0 : i32, i32
  }
  func.func @transform_9(%arg0: i32) -> (i32, i32) {
    %c0_i32 = arith.constant 0 : i32
    %c0_i32_0 = arith.constant 0 : i32
    %c0_i32_1 = arith.constant 0 : i32
    return %c0_i32, %c0_i32_0 : i32, i32
  }
  func.func @transform_10(%arg0: i32) -> (i32, i32) {
    %c0_i32 = arith.constant 0 : i32
    %c0_i32_0 = arith.constant 0 : i32
    return %arg0, %c0_i32 : i32, i32
  }
}

</mosaic_0001>

<sc_bundles>
// kernel: kernel.4.cloned.1.call-start
scs
__scs_entry_jumppad:
0x0: {  	(pc) =	sbr.rel $0x88, $3  }
0x1: {  	(tag) =	ssettag $0x0;
	lr =	simm.s32 $0x1  }
0x2: {  	[smem:$0x3F9A] =	sst lr;
	_ =	strace $0xD0000000  }
0x3: {  	_ = 	snop  }
0x4: {  	_ = 	snop  }
0x5: {  	_ = 	snop  }
0x6: {  	_ = 	snop  }
0x7: {  	_ = 	snop  }
__scs_overlays_trampoline_lowered:
0x8: {  	[smem:$0x3FA9] =	sst s0  }
0x9: {  	[smem:$0x3FAA] =	sst s1  }
0xa: {  	[smem:$0x3FAB] =	sst s2  }
0xb: {  	[smem:$0x3FAC] =	sst s3  }
0xc: {  	[smem:$0x3FAD] =	sst s4  }
0xd: {  	[smem:$0x3FAE] =	sst s5  }
0xe: {  	[smem:$0x3FAF] =	sst s6  }
0xf: {  	[smem:$0x3FB0] =	sst s7  }
0x10: {  	[smem:$0x3FB1] =	sst s8  }
0x11: {  	[smem:$0x3FB2] =	sst s9;
	s0 =	simm.s32 @!p0 $0x0  }
0x12: {  	s1 =	sld [smem:$0x3F98];
	s0 =	simm.s32 @p0 $0x1  }
0x13: {  	[smem:$0x3FB3] =	sst s0;
	s0 =	simm.s32 @!p1 $0x0  }
0x14: {  	s2 =	sld [smem:$0x3F97];
	s0 =	simm.s32 @p1 $0x1  }
0x15: {  	[smem:$0x3FB4] =	sst s0;
	s0 =	simm.s32 @!p2 $0x0  }
0x16: {  	s3 =	sld [smem:$0x3FDB];
	s0 =	simm.s32 @p2 $0x1  }
0x17: {  	s4 =	simm.s32 $0x1BF5;
	[smem:$0x3FB6] =	sst s0  }
0x18: {  	s0 =	sld [smem:$0x3F99];
	_ =	swait.ge [sflag:s4], $0x0  }
0x19: {  	s7 =	sld [smem:$0x3F9A]  }
0x1a: {  	s8 =	sadd.s32 $0xFFFFE003, lr  }
0x1b: {  	s9 =	sadd.s32 $0xFFFFFEF7, lr;
	s5 =	simm.s32 $0xFFFFFFFF;
	p2 =	slt.u32 s8, $0xFFFFF086  }
0x1c: {  	p1 =	slt.u32 s9, $0xF7A;
	s5 =	simm.s32 @!p2 $0x0  }
0x1d: {  	s5 =	simm.s32 @p1 $0x1;
	p0 =	seq.s32 s7, s2  }
0x1e: {  	s7 =	smul.u32 @!p0 $0xF7A, s2;
	p2 =	seq.s32 @!p0 s5, $0x0  }
0x1f: {  	s9 =	smul.u32 $0xF7A, s1;
	s8 =	simm.s32 @!p0 $0x1BF5;
	p2 =	por !p2, p0  }
0x20: {  	[sflag:s8] =	ssyncset.s32 @!p0 $0xFFFFF086;
	s6 =	sadd.s32 @!p0 s3, s7;
	s7 =	simm.s32 @!p0 $0x108  }
0x21: {  	s3 =	sadd.s32 s3, s9;
	s6 =	sadd.s32 @!p0 $0x88, s6;
	s7 =	simm.s32 @p2 $0x1082  }
0x22: {  	[simem:s7], [sflag:s8] =	dma.local @!p0 [hbm:s6], $0xF7A  }
0x23: {  	s9 =	sor.u32 $0xD0000000, s2;
	s6 =	simm.s32 $0x108;
	_ =	swait.ge @!p0 [sflag:s8], $0x0  }
0x24: {  	s3 =	sadd.s32 $0x88, s3;
	s6 =	simm.s32 @!p1 $0x1082;
	[sflag:s4] =	ssyncset.s32 $0xFFFFF086  }
0x25: {  	[simem:s6], [sflag:s4] =	dma.local [hbm:s3], $0xF7A  }
0x26: {  	[smem:$0x3F9A] =	sst s1;
	(tag) =	ssettag s2;
	_ =	strace s9  }
0x27: {  	s1 =	sld [smem:$0x3FAA]  }
0x28: {  	s2 =	sld [smem:$0x3FAB]  }
0x29: {  	s4 =	sld [smem:$0x3FAD]  }
0x2a: {  	p0 =	seq.s32 s5, $0x0;
	s5 =	sld [smem:$0x3FAE]  }
0x2b: {  	s6 =	sld [smem:$0x3FAF]  }
0x2c: {  	s7 =	sld [smem:$0x3FB0]  }
0x2d: {  	s3 =	simm.s32 $0x108;
	s8 =	sld [smem:$0x3FB1]  }
0x2e: {  	s3 =	simm.s32 @!p0 $0x1082;
	s9 =	sld [smem:$0x3FB2]  }
0x2f: {  	lr =	sadd.s32 s0, s3;
	s0 =	sld [smem:$0x3FA9]  }
0x30: {  	s3 =	sld [smem:$0x3FAC]  }
0x31: {  	[smem:$0x3FB5] =	sst s10  }
0x32: {  	s10 =	sld [smem:$0x3FB3];
	_ =	sdelay $0x3  }
0x33: {  	p0 =	seq.s32 s10, $0x1;
	s10 =	sld [smem:$0x3FB5];
	_ =	sdelay $0x3  }
0x34: {  	[smem:$0x3FB5] =	sst s10  }
0x35: {  	s10 =	sld [smem:$0x3FB4];
	_ =	sdelay $0x3  }
0x36: {  	p1 =	seq.s32 s10, $0x1;
	s10 =	sld [smem:$0x3FB5];
	_ =	sdelay $0x3  }
0x37: {  	[smem:$0x3FB5] =	sst s10  }
0x38: {  	s10 =	sld [smem:$0x3FB6]  }
0x39: {  	_ = 	snop;
	(pc) =	sbr.ind lr, $3  }
0x3a: {  	_ = 	snop  }
0x3b: {  	_ = 	snop  }
0x3c: {  	p2 =	seq.s32 s10, $0x1;
	s10 =	sld [smem:$0x3FB5]  }
0x3d: {  	_ =	shalt  }
0x3e: {  	_ =	shalt  }
0x3f: {  	_ =	shalt  }
0x40: {  	_ =	shalt  }
0x41: {  	_ =	shalt  }
0x42: {  	_ =	shalt  }
0x43: {  	_ =	shalt  }
0x44: {  	_ =	shalt  }
0x45: {  	_ =	shalt  }
0x46: {  	_ =	shalt  }
0x47: {  	_ =	shalt  }
0x48: {  	_ =	shalt  }
0x49: {  	_ =	shalt  }
0x4a: {  	_ =	shalt  }
0x4b: {  	_ =	shalt  }
0x4c: {  	_ =	shalt  }
0x4d: {  	_ =	shalt  }
0x4e: {  	_ =	shalt  }
0x4f: {  	_ =	shalt  }
0x50: {  	_ =	shalt  }
0x51: {  	_ =	shalt  }
0x52: {  	_ =	shalt  }
0x53: {  	_ =	shalt  }
0x54: {  	_ =	shalt  }
0x55: {  	_ =	shalt  }
0x56: {  	_ =	shalt  }
0x57: {  	_ =	shalt  }
0x58: {  	_ =	shalt  }
0x59: {  	_ =	shalt  }
0x5a: {  	_ =	shalt  }
0x5b: {  	_ =	shalt  }
0x5c: {  	_ =	shalt  }
0x5d: {  	_ =	shalt  }
0x5e: {  	_ =	shalt  }
0x5f: {  	_ =	shalt  }
0x60: {  	_ =	shalt  }
0x61: {  	_ =	shalt  }
0x62: {  	_ =	shalt  }
0x63: {  	_ =	shalt  }
0x64: {  	_ =	shalt  }
0x65: {  	_ =	shalt  }
0x66: {  	_ =	shalt  }
0x67: {  	_ =	shalt  }
0x68: {  	_ =	shalt  }
0x69: {  	_ =	shalt  }
0x6a: {  	_ =	shalt  }
0x6b: {  	_ =	shalt  }
0x6c: {  	_ =	shalt  }
0x6d: {  	_ =	shalt  }
0x6e: {  	_ =	shalt  }
0x6f: {  	_ =	shalt  }
0x70: {  	_ =	shalt  }
0x71: {  	_ =	shalt  }
0x72: {  	_ =	shalt  }
0x73: {  	_ =	shalt  }
0x74: {  	_ =	shalt  }
0x75: {  	_ =	shalt  }
0x76: {  	_ =	shalt  }
0x77: {  	_ =	shalt  }
0x78: {  	_ =	shalt  }
0x79: {  	_ =	shalt  }
0x7a: {  	_ =	shalt  }
0x7b: {  	_ =	shalt  }
0x7c: {  	_ =	shalt  }
0x7d: {  	_ =	shalt  }
0x7e: {  	_ =	shalt  }
0x7f: {  	_ =	shalt  }
0x80: {  	_ =	shalt  }
0x81: {  	_ =	shalt  }
0x82: {  	_ =	shalt  }
0x83: {  	_ =	shalt  }
0x84: {  	_ =	shalt  }
0x85: {  	_ =	shalt  }
0x86: {  	_ =	shalt  }
0x87: {  	_ =	shalt  }
.Lfunc_end0:
.L_simem_size_0:
called_computation_lowered:
.L_overlay_start_0:
0x88: {  	s2 =	sld [smem:$0x3FD9]  }
0x89: {  	s3 =	sld [smem:$0x3FFE];
	_ =	sdelay $0x1  }
0x8a: {  	s1 =	srdreg.scid  }
0x8b: {  	s0 =	sand.u32 $0x1, s1  }
0x8c: {  	s17 =	sshll.u32 s0, $0xA;
	s2 =	sadd.s32 s3, s2  }
0x8d: {  	s2 =	sadd.s32 s2, s17  }
0x8e: {  	[smem:$0x3FC1] =	sst s2  }
0x8f: {  	_ = 	snop  }
0x90: {  	s2 =	sld [smem:$0x3FC9]  }
0x91: {  	s18 =	sld [smem:$0x3FD0];
	(tm) =	ssettm $0x1  }
0x92: {  	s4 =	sld [smem:$0x3FFB];
	_ =	sdelay $0x3  }
0x93: {  	_ =	strace s4  }
0x94: {  	s4 =	sld [smem:$0x3FFC];
	_ =	sdelay $0x3  }
0x95: {  	_ =	strace s4  }
0x96: {  	s4 =	sld [smem:$0x3FFD];
	_ =	sdelay $0x3  }
0x97: {  	_ =	strace s4  }
0x98: {  	_ =	strace $0x8FFFFFFF  }
0x99: {  	s19 =	sld [smem:$0x3FDB];
	_ =	sdelay $0x1  }
0x9a: {  	s5 =	simm.s32 $_scs_section_size  }
0x9b: {  	s6 =	simm.s32 $_size__tile_overlayer_lowered;
	s7 =	simm.s32 $_tile_overlayer_lowered  }
0x9c: {  	s22 =	simm.s32 $0x1BFF;
	s21 =	sshll.u32 s7, $0x1;
	s4 =	sadd.s32 s5, s19  }
0x9d: {  	s8 =	simm.s32 $0x0;
	s20 =	sshll.u32 s6, $0x1;
	s6 =	sadd.s32 s21, s4  }
0x9e: {  	[timem:s8], [sflag:s22] =	dma.local [hbm:s6], s20  }
0x9f: {  	_ =	swait.ge [sflag:s22], s20  }
0xa0: {  	s5 =	ssub.s32 $0x0, s20;
	[sflag:s22] =	ssyncset.done $0x0  }
0xa1: {  	[sflag:s22] =	ssyncadd.s32 s5;
	_ =	sdelay $0x1  }
0xa2: {  	s23 =	simm.s32 $0x1B8B  }
0xa3: {  	_ =	swait.ge [sflag:s23], $0x1  }
0xa4: {  	[sflag:s23] =	ssyncset.done $0x0  }
0xa5: {  	s25 =	simm.s32 $0x1B8E;
	s24 =	sld [smem:$0x3FFE];
	[sflag:s23] =	ssyncadd.s32 $0xFFFFFFFF  }
0xa6: {  	s26 =	simm.s32 $execute0_lowered;
	[smem:$0x3FD2] =	sst s25  }
0xa7: {  	s6 =	sshll.u32 s26, $0x1;
	_ =	strace $0x80000046;
	[dreg:$0x1] =	wrdreg $0xFFFFFFFF  }
0xa8: {  	s28 =	simm.s32 $_size_execute0_lowered;
	s4 =	sadd.s32 s4, s6;
	[dreg:$0x0] =	wrdreg $0x0  }
0xa9: {  	s6 =	sshll.u32 s28, $0x1;
	[dreg:$0x2] =	wrdreg s4  }
0xaa: {  	[dreg:$0x3] =	wrdreg s6  }
0xab: {  	[dreg:$0x4] =	wrdreg $0xC0  }
0xac: {  	_ =	task [dreg:s8], $0x5FFFF  }
0xad: {  	[dreg:$0x1] =	wrdreg $0xFFFFFFFF  }
0xae: {  	[dreg:$0x0] =	wrdreg $0x60  }
0xaf: {  	[dreg:$0x2] =	wrdreg s2  }
0xb0: {  	[dreg:$0x3] =	wrdreg s24  }
0xb1: {  	[dreg:$0x4] =	wrdreg s18  }
0xb2: {  	[dreg:$0x5] =	wrdreg $0xA2800  }
0xb3: {  	[dreg:$0x6] =	wrdreg $0x1DB000  }
0xb4: {  	[dreg:$0x7] =	wrdreg $0x9  }
0xb5: {  	_ =	task.clear_ibuf [dreg:s8], $0x8FFFF;
	_ =	strace $0x90000046  }
0xb6: {  	s29 =	simm.s32 $0x9;
	_ =	strace $0x80000048  }
0xb7: {  	_ =	swait.ge [sflag:s29], $0x1  }
0xb8: {  	[sflag:s29] =	ssyncadd.s32 $0xFFFFFFFF  }
0xb9: {  	_ =	strace $0x90000048  }
0xba: {  	_ =	sfence  }
0xbb: {  	s30 =	sld [smem:$0x0];
	_ =	sdelay $0x2  }
0xbc: {  	s31 =	sshll.u32 s1, $0xD;
	s1 =	sshrl.u32 s1, $0x2  }
0xbd: {  	s3 =	sand.u32 $0x4000, s31;
	s1 =	sadd.s32 s1, s30  }
0xbe: {  	s0 =	sor.u32 s3, s0;
	s1 =	sshll.u32 s1, $0x11  }
0xbf: {  	s0 =	sor.u32 s1, s0  }
0xc0: {  	s0 =	sadd.s32 $0x8F2B, s0  }
0xc1: {  	[sflag:s0] =	ssyncadd.remote.s32 $0x1  }
0xc2: {  	_ =	sfence.sel $0xFFFF  }
0xc3: {  	[dreg:$0x0] =	wrdreg $0xFFFFFFFF;
	(pc) =	sbr.abs _section_cstart, $3  }
0xc4: {  	[dreg:$0x1] =	wrdreg $0xFFFFFFFF  }
0xc5: {  	_ =	task.clear_ibuf [dreg:s8], $0x2FFFF;
	_ =	strace $0x9FFFFFFF  }
0xc6: {  	(tm) =	ssettm $0x7FFFFFFF  }
0xc7: {  	_ =	shalt  }
tec
execute0_lowered:
.L_overlay_start_1:
0x0: {  	(tag) =	ssettag $0x1  }
0x1: {  	s1 =	rddreg [dreg:$0x0]  }
0x2: {  	s0 =	rddreg [dreg:$0x1]  }
0x3: {  	s2 =	rddreg [dreg:$0x2]  }
0x4: {  	s3 =	rddreg [dreg:$0x3]  }
0x5: {  	s4 =	rddreg [dreg:$0x4];
	s17 =	stileid.u32;
	s5 =	simm.s32 $0x0  }
0x6: {  	s6 =	srdreg.scid;
	s29 =	simm.s32 $0x50;
	s30 =	simm.s32 $0xA0  }
0x7: {  	s31 =	simm.s32 $0x1;
	s28 =	simm.s32 $0x5000;
	s7 =	smul.u32 $0x13880, s17  }
0x8: {  	s8 =	smul.u32 $0x1388, s17;
	[smem:$0x7FF] =	sst s5;
	s9 =	sand.u32 $0x1, s6  }
0x9: {  	s10 =	smul.u32 $0x271, s17;
	s6 =	sadd.s32 $0x1400, s0;
	s12 =	sadd.s32 $0xB200, s0  }
0xa: {  	s26 =	sshll.u32 s17, $0x6;
	s19 =	smul.u32 $0x2710, s17;
	_ =	strace $0x80000047  }
0xb: {  	s11 =	smul.u32 $0x2710, s9;
	[dreg:$0x6] =	wrdreg s12;
	s14 =	ssub.s32 $0x2, s9  }
0xc: {  	s15 =	sshll.u32 s9, $0x4;
	s9 =	smul.u32 $0x27100, s9;
	s23 =	sshrl.u32 s7, $0x3  }
0xd: {  	s13 =	sshrl.u32 s8, $0x3;
	s16 =	sshrl.u32 s14, $0x1;
	s15 =	sor.u32 s17, s15  }
0xe: {  	s7 =	sadd.s32 s7, s3;
	s8 =	sadd.s32 s8, s4;
	s12 =	sadd.s32 s23, s0  }
0xf: {  	s13 =	sadd.s32 s13, s0;
	s10 =	sadd.s32 s10, s11;
	[dreg:$0x7] =	wrdreg s7  }
0x10: {  	s16 =	ssub.s32 s14, s16;
	s24 =	smul.u32 $0x2710, s15;
	[dreg:$0x9] =	wrdreg s8  }
0x11: {  	s11 =	sshll.u32 s10, $0x4;
	s25 =	sadd.s32 $0xDC00, s12;
	s12 =	smul.u32 $0x4E2, s15  }
0x12: {  	s13 =	sadd.s32 $0xB400, s13;
	s11 =	sadd.s32 s11, s0;
	[dreg:$0x8] =	wrdreg s25  }
0x13: {  	s0 =	sadd.s32 s10, s0;
	[dreg:$0xa] =	wrdreg s13;
	s25 =	smax.u32 s16, $0x1  }
0x14: {  	s15 =	sshrl.u32 s24, $0x3;
	s2 =	sadd.s32 s2, s12;
	[dreg:$0x13] =	wrdreg s25  }
0x15: {  	s10 =	sor.u32 $0x1C08, s26;
	s18 =	sadd.s32 s6, s15;
	[dreg:$0xb] =	wrdreg s2  }
0x16: {  	s22 =	sadd.s32 $0x39E00, s11;
	s0 =	sadd.s32 $0x34E00, s0;
	[dreg:$0xc] =	wrdreg s18  }
0x17: {  	s25 =	simm.s32 $0x8;
	s11 =	simm.s32 $0x5;
	[dreg:$0x11] =	wrdreg s22  }
0x18: {  	s12 =	simm.s32 $0x6;
	s8 =	sadd.s32 $0xA, s18;
	[dreg:$0x12] =	wrdreg s0  }
0x19: {  	s20 =	sadd.s32 $0x14, s18;
	s21 =	sadd.s32 $0x4CE, s18;
	[dreg:$0xd] =	wrdreg s8  }
0x1a: {  	s7 =	sadd.s32 $0x4D8, s18;
	s2 =	sadd.s32 s19, s9;
	[dreg:$0xe] =	wrdreg s20  }
0x1b: {  	s9 =	simm.s32 $0x7800;
	s19 =	simm.s32 $0x7;
	[dreg:$0xf] =	wrdreg s21  }
0x1c: {  	[dreg:$0x10] =	wrdreg s7;
	s23 =	sadd.s32 $0x190, s2;
	s24 =	sadd.s32 $0x140, s2  }
0x1d: {  	s26 =	sadd.s32 $0xF0, s2;
	s2 =	simm.s32 $0x2;
	s8 =	simm.s32 $0x3  }
0x1e: {  	s20 =	simm.s32 $0x0;
	s0 =	sshrl.u32 s23, $0x3;
	s7 =	sshrl.u32 s24, $0x3  }
0x1f: {  	[dreg:$0x14] =	wrdreg s26;
	s26 =	simm.s32 $0xA000;
	s17 =	sadd.s32 s0, s6  }
0x20: {  	s18 =	sadd.s32 s7, s6;
	s0 =	simm.s32 $0x2800;
	s7 =	simm.s32 $0x4  }
.LBB2_1:
0x21: {  	s13 =	rddreg [dreg:$0x7]  }
0x22: {  	s14 =	rddreg [dreg:$0x8];
	s21 =	sshrl.u32 s13, $0x3  }
0x23: {  	[spmem:s21], [sflag:s10] =	dma.local [hbm:s14], $0x2710  }
0x24: {  	_ =	swait.ge [sflag:s25], $0x2710  }
0x25: {  	[sflag:s25] =	ssyncset.done $0x0;
	s15 =	rddreg [dreg:$0x9]  }
0x26: {  	s14 =	rddreg [dreg:$0xa];
	[sflag:s25] =	ssyncadd.s32 $0xFFFFD8F0;
	s13 =	sshrl.u32 s15, $0x3  }
0x27: {  	[spmem:s13], [sflag:s10] =	dma.local [hbm:s14], $0x271  }
0x28: {  	_ =	swait.ge [sflag:s25], $0x271  }
0x29: {  	[sflag:s25] =	ssyncset.done $0x0  }
0x2a: {  	s16 =	rddreg [dreg:$0x6];
	[sflag:s25] =	ssyncadd.s32 $0xFFFFFD8F  }
0x2b: {  	[tilespmem:s26], [sflag:$0x8] =	stream.linear.gather [hbm4b:s16+s5], $0x280, $0x38;
	[tilespmem:$0x1EE88] =	vst v63  }
0x2c: {  	_ =	swait.ge [sflag:s25], $0x280  }
0x2d: {  	[sflag:s25] =	ssyncset.done $0x0  }
0x2e: {  	s15 =	simm.s32 $0xF0;
	s22 =	rddreg [dreg:$0xb];
	[sflag:s25] =	ssyncadd.s32 $0xFFFFFD80  }
0x2f: {  	[tilespmem:s15], [sflag:$0x8] =	stream.linear.gather [hbm4b:s22+s5], $0x2710, $0x38;
	[tilespmem:$0x1EE88] =	vst v63  }
0x30: {  	_ =	swait.ge [sflag:s25], $0x2710  }
0x31: {  	[sflag:s25] =	ssyncset.done $0x0  }
0x32: {  	[sflag:s25] =	ssyncadd.s32 $0xFFFFD8F0  }
0x33: {  	[bflag:$0x0] =	sbarrier.arrive $0xFFFF  }
0x34: {  	s23 =	rddreg [dreg:$0xc]  }
0x35: {  	[tilespmem:s5], [sflag:$0x1] =	stream.linear.gather [hbm4b:s23+s5], $0x50, $0x38;
	[tilespmem:$0x1EE88] =	vst v63  }
0x36: {  	s24 =	rddreg [dreg:$0xd]  }
0x37: {  	[tilespmem:s29], [sflag:$0x2] =	stream.linear.gather [hbm4b:s24+s5], $0x50, $0x38;
	[tilespmem:$0x1EE88] =	vst v63  }
0x38: {  	s15 =	rddreg [dreg:$0xe]  }
0x39: {  	[tilespmem:s30], [sflag:$0x3] =	stream.linear.gather [hbm4b:s15+s5], $0x50, $0x38;
	[tilespmem:$0x1EE88] =	vst v63  }
0x3a: {  	_ =	swait.ge [sflag:s31], $0x50  }
0x3b: {  	[sflag:s31] =	ssyncset.done $0x0  }
0x3c: {  	[sflag:s31] =	ssyncadd.s32 $0xFFFFFFB0  }
0x3d: {  	[tilespmem:s0], [sflag:$0x4] =	stream.indirect.gather [hbm4b:s1+s29], $0x80, s5, s29, $0xb8;
	[tilespmem:$0x1EE88] =	vst v63  }
0x3e: {  	_ =	swait.ge [sflag:s2], $0x50  }
0x3f: {  	[sflag:s2] =	ssyncset.done $0x0  }
0x40: {  	[sflag:s2] =	ssyncadd.s32 $0xFFFFFFB0  }
0x41: {  	[tilespmem:s28], [sflag:$0x5] =	stream.indirect.gather [hbm4b:s1+s29], $0x80, s29, s29, $0xb8;
	[tilespmem:$0x1EE88] =	vst v63  }
0x42: {  	_ =	swait.ge [sflag:s7], $0x2800  }
0x43: {  	s14 =	rddreg [dreg:$0x14]  }
0x44: {  	[sflag:s7] =	ssyncset.done $0x0;
	s16 =	sshrl.u32 s14, $0x3  }
0x45: {  	[sflag:s7] =	ssyncadd.s32 $0xFFFFD800;
	s15 =	sadd.s32 s6, s16  }
0x46: {  	[tilespmem:s5], [sflag:$0x1] =	stream.linear.gather [hbm4b:s15+s5], $0x50, $0x38;
	[tilespmem:$0x1EE88] =	vst v63  }
0x47: {  	_ =	swait.ge [sflag:s8], $0x50  }
0x48: {  	[sflag:s8] =	ssyncset.done $0x0  }
0x49: {  	[sflag:s8] =	ssyncadd.s32 $0xFFFFFFB0  }
0x4a: {  	[tilespmem:s9], [sflag:$0x6] =	stream.indirect.gather [hbm4b:s1+s29], $0x80, s30, s29, $0xb8;
	[tilespmem:$0x1EE88] =	vst v63  }
0x4b: {  	s22 =	simm.s32 $0xF0  }
0x4c: {  	[spmem:s4] =	stream.indirect.scatter.add.f32 [tilespmem:s26], [sflag:$0x7], $0x8, s22, s29, $0xb8;
	[tilespmem:$0x1EE88] =	vst v63  }
0x4d: {  	_ = 	snop  }
0x4e: {  	[spmem:s3] =	stream.indirect.scatter.add.f32 [tilespmem:s0], [sflag:$0x8], $0x80, s22, s29, $0xb8;
	[tilespmem:$0x1EE88] =	vst v63  }
0x4f: {  	_ =	swait.ge [sflag:s25], $0x2800  }
0x50: {  	[sflag:s25] =	ssyncset.done $0x0  }
0x51: {  	[sflag:s25] =	ssyncadd.s32 $0xFFFFD800  }
0x52: {  	_ =	swait.ge [sflag:s11], $0x2800  }
0x53: {  	[sflag:s11] =	ssyncset.done $0x0  }
0x54: {  	[sflag:s11] =	ssyncadd.s32 $0xFFFFD800  }
0x55: {  	[tilespmem:s29], [sflag:$0x2] =	stream.linear.gather [hbm4b:s18+s5], $0x50, $0x38;
	[tilespmem:$0x1EE88] =	vst v63  }
0x56: {  	_ =	swait.ge [sflag:s31], $0x50  }
0x57: {  	[sflag:s31] =	ssyncset.done $0x0  }
0x58: {  	[sflag:s31] =	ssyncadd.s32 $0xFFFFFFB0  }
0x59: {  	[tilespmem:s0], [sflag:$0x4] =	stream.indirect.gather [hbm4b:s1+s29], $0x80, s5, s29, $0xb8;
	[tilespmem:$0x1EE88] =	vst v63  }
0x5a: {  	s23 =	simm.s32 $0x140  }
0x5b: {  	[spmem:s4] =	stream.indirect.scatter.add.f32 [tilespmem:s26], [sflag:$0x7], $0x8, s23, s29, $0xb8;
	[tilespmem:$0x1EE88] =	vst v63  }
0x5c: {  	_ = 	snop  }
0x5d: {  	[spmem:s3] =	stream.indirect.scatter.add.f32 [tilespmem:s28], [sflag:$0x8], $0x80, s23, s29, $0xb8;
	[tilespmem:$0x1EE88] =	vst v63  }
0x5e: {  	_ =	swait.ge [sflag:s25], $0x2800  }
0x5f: {  	[sflag:s25] =	ssyncset.done $0x0  }
0x60: {  	[sflag:s25] =	ssyncadd.s32 $0xFFFFD800  }
0x61: {  	_ =	swait.ge [sflag:s12], $0x2800  }
0x62: {  	[sflag:s12] =	ssyncset.done $0x0  }
0x63: {  	[sflag:s12] =	ssyncadd.s32 $0xFFFFD800  }
0x64: {  	[tilespmem:s30], [sflag:$0x3] =	stream.linear.gather [hbm4b:s17+s5], $0x50, $0x38;
	[tilespmem:$0x1EE88] =	vst v63  }
0x65: {  	_ =	swait.ge [sflag:s2], $0x50  }
0x66: {  	[sflag:s2] =	ssyncset.done $0x0  }
0x67: {  	[sflag:s2] =	ssyncadd.s32 $0xFFFFFFB0  }
0x68: {  	[tilespmem:s28], [sflag:$0x5] =	stream.indirect.gather [hbm4b:s1+s29], $0x80, s29, s29, $0xb8;
	[tilespmem:$0x1EE88] =	vst v63  }
0x69: {  	s24 =	simm.s32 $0x190  }
0x6a: {  	[spmem:s4] =	stream.indirect.scatter.add.f32 [tilespmem:s26], [sflag:$0x7], $0x8, s24, s29, $0xb8;
	[tilespmem:$0x1EE88] =	vst v63  }
0x6b: {  	_ = 	snop  }
0x6c: {  	[spmem:s3] =	stream.indirect.scatter.add.f32 [tilespmem:s9], [sflag:$0x8], $0x80, s24, s29, $0xb8;
	[tilespmem:$0x1EE88] =	vst v63  }
0x6d: {  	s16 =	sadd.s32 $0xF0, s14;
	s15 =	simm.s32 $0x3C0;
	_ =	swait.ge [sflag:s25], $0x2800  }
0x6e: {  	s22 =	smov.u32 s17;
	s23 =	smov.u32 s18;
	[sflag:s25] =	ssyncset.done $0x0  }
.LBB2_2:
0x6f: {  	[sflag:s25] =	ssyncadd.s32 $0xFFFFD800;
	s22 =	sadd.s32 $0x1E, s22;
	s23 =	sadd.s32 $0x1E, s23  }
0x70: {  	p0 =	sne.s32 s15, $0x9240;
	s14 =	smov.u32 s15;
	s15 =	sadd.s32 $0x3C0, s15  }
0x71: {  	_ =	swait.ge [sflag:s7], $0x2800  }
0x72: {  	s24 =	sshrl.u32 s16, $0x3;
	[sflag:s7] =	ssyncset.done $0x0  }
0x73: {  	s24 =	sadd.s32 s6, s24;
	[sflag:s7] =	ssyncadd.s32 $0xFFFFD800  }
0x74: {  	[tilespmem:s5], [sflag:$0x1] =	stream.linear.gather [hbm4b:s24+s5], $0x50, $0x38;
	[tilespmem:$0x1EE88] =	vst v63  }
0x75: {  	_ =	swait.ge [sflag:s8], $0x50  }
0x76: {  	[sflag:s8] =	ssyncset.done $0x0  }
0x77: {  	s14 =	sshra.s32 s14, $0x2;
	[sflag:s8] =	ssyncadd.s32 $0xFFFFFFB0  }
0x78: {  	[tilespmem:s9], [sflag:$0x6] =	stream.indirect.gather [hbm4b:s1+s29], $0x80, s30, s29, $0xb8;
	[tilespmem:$0x1EE88] =	vst v63  }
0x79: {  	s24 =	sadd.s32 $0xF0, s14  }
0x7a: {  	[spmem:s4] =	stream.indirect.scatter.add.f32 [tilespmem:s26], [sflag:$0x7], $0x8, s24, s29, $0xb8;
	[tilespmem:$0x1EE88] =	vst v63  }
0x7b: {  	_ = 	snop  }
0x7c: {  	[spmem:s3] =	stream.indirect.scatter.add.f32 [tilespmem:s0], [sflag:$0x8], $0x80, s24, s29, $0xb8;
	[tilespmem:$0x1EE88] =	vst v63  }
0x7d: {  	_ =	swait.ge [sflag:s25], $0x2800  }
0x7e: {  	[sflag:s25] =	ssyncset.done $0x0  }
0x7f: {  	[sflag:s25] =	ssyncadd.s32 $0xFFFFD800  }
0x80: {  	_ =	swait.ge [sflag:s11], $0x2800  }
0x81: {  	[sflag:s11] =	ssyncset.done $0x0  }
0x82: {  	[sflag:s11] =	ssyncadd.s32 $0xFFFFD800  }
0x83: {  	[tilespmem:s29], [sflag:$0x2] =	stream.linear.gather [hbm4b:s23+s5], $0x50, $0x38;
	[tilespmem:$0x1EE88] =	vst v63  }
0x84: {  	_ =	swait.ge [sflag:s31], $0x50  }
0x85: {  	[sflag:s31] =	ssyncset.done $0x0  }
0x86: {  	[sflag:s31] =	ssyncadd.s32 $0xFFFFFFB0  }
0x87: {  	[tilespmem:s0], [sflag:$0x4] =	stream.indirect.gather [hbm4b:s1+s29], $0x80, s5, s29, $0xb8;
	[tilespmem:$0x1EE88] =	vst v63  }
0x88: {  	s24 =	sadd.s32 $0x140, s14  }
0x89: {  	[spmem:s4] =	stream.indirect.scatter.add.f32 [tilespmem:s26], [sflag:$0x7], $0x8, s24, s29, $0xb8;
	[tilespmem:$0x1EE88] =	vst v63  }
0x8a: {  	_ = 	snop  }
0x8b: {  	[spmem:s3] =	stream.indirect.scatter.add.f32 [tilespmem:s28], [sflag:$0x8], $0x80, s24, s29, $0xb8;
	[tilespmem:$0x1EE88] =	vst v63  }
0x8c: {  	_ =	swait.ge [sflag:s25], $0x2800  }
0x8d: {  	[sflag:s25] =	ssyncset.done $0x0  }
0x8e: {  	[sflag:s25] =	ssyncadd.s32 $0xFFFFD800  }
0x8f: {  	_ =	swait.ge [sflag:s12], $0x2800  }
0x90: {  	[sflag:s12] =	ssyncset.done $0x0  }
0x91: {  	[sflag:s12] =	ssyncadd.s32 $0xFFFFD800  }
0x92: {  	[tilespmem:s30], [sflag:$0x3] =	stream.linear.gather [hbm4b:s22+s5], $0x50, $0x38;
	[tilespmem:$0x1EE88] =	vst v63  }
0x93: {  	_ =	swait.ge [sflag:s2], $0x50  }
0x94: {  	[sflag:s2] =	ssyncset.done $0x0  }
0x95: {  	[sflag:s2] =	ssyncadd.s32 $0xFFFFFFB0  }
0x96: {  	[tilespmem:s28], [sflag:$0x5] =	stream.indirect.gather [hbm4b:s1+s29], $0x80, s29, s29, $0xb8;
	[tilespmem:$0x1EE88] =	vst v63  }
0x97: {  	s14 =	sadd.s32 $0x190, s14  }
0x98: {  	[spmem:s4] =	stream.indirect.scatter.add.f32 [tilespmem:s26], [sflag:$0x7], $0x8, s14, s29, $0xb8;
	[tilespmem:$0x1EE88] =	vst v63  }
.Ltmp0:
0x99: {  	_ = 	snop;
	(pc) =	sbr.rel @p0 .LBB2_2-.Ltmp0, $4  }
0x9a: {  	_ = 	snop  }
0x9b: {  	[spmem:s3] =	stream.indirect.scatter.add.f32 [tilespmem:s9], [sflag:$0x8], $0x80, s14, s29, $0xb8;
	[tilespmem:$0x1EE88] =	vst v63  }
0x9c: {  	_ =	swait.ge [sflag:s25], $0x2800  }
0x9d: {  	s16 =	sadd.s32 $0xF0, s16;
	[sflag:s25] =	ssyncset.done $0x0  }
0x9e: {  	[sflag:s25] =	ssyncadd.s32 $0xFFFFD800  }
0x9f: {  	_ =	swait.ge [sflag:s7], $0x2800  }
0xa0: {  	[sflag:s7] =	ssyncset.done $0x0  }
0xa1: {  	s14 =	rddreg [dreg:$0xf];
	[sflag:s7] =	ssyncadd.s32 $0xFFFFD800  }
0xa2: {  	[tilespmem:s5], [sflag:$0x1] =	stream.linear.gather [hbm4b:s14+s5], $0x50, $0x38;
	[tilespmem:$0x1EE88] =	vst v63  }
0xa3: {  	_ =	swait.ge [sflag:s8], $0x50  }
0xa4: {  	[sflag:s8] =	ssyncset.done $0x0  }
0xa5: {  	[sflag:s8] =	ssyncadd.s32 $0xFFFFFFB0  }
0xa6: {  	[tilespmem:s9], [sflag:$0x6] =	stream.indirect.gather [hbm4b:s1+s29], $0x80, s30, s29, $0xb8;
	[tilespmem:$0x1EE88] =	vst v63  }
0xa7: {  	s24 =	simm.s32 $0x2670  }
0xa8: {  	[spmem:s4] =	stream.indirect.scatter.add.f32 [tilespmem:s26], [sflag:$0x7], $0x8, s24, s29, $0xb8;
	[tilespmem:$0x1EE88] =	vst v63  }
0xa9: {  	_ = 	snop  }
0xaa: {  	[spmem:s3] =	stream.indirect.scatter.add.f32 [tilespmem:s0], [sflag:$0x8], $0x80, s24, s29, $0xb8;
	[tilespmem:$0x1EE88] =	vst v63  }
0xab: {  	_ =	swait.ge [sflag:s25], $0x2800  }
0xac: {  	[sflag:s25] =	ssyncset.done $0x0  }
0xad: {  	[sflag:s25] =	ssyncadd.s32 $0xFFFFD800  }
0xae: {  	_ =	swait.ge [sflag:s11], $0x2800  }
0xaf: {  	[sflag:s11] =	ssyncset.done $0x0  }
0xb0: {  	s15 =	rddreg [dreg:$0x10];
	[sflag:s11] =	ssyncadd.s32 $0xFFFFD800  }
0xb1: {  	[tilespmem:s29], [sflag:$0x2] =	stream.linear.gather [hbm4b:s15+s5], $0x50, $0x38;
	[tilespmem:$0x1EE88] =	vst v63  }
0xb2: {  	_ =	swait.ge [sflag:s31], $0x50  }
0xb3: {  	[sflag:s31] =	ssyncset.done $0x0  }
0xb4: {  	[sflag:s31] =	ssyncadd.s32 $0xFFFFFFB0  }
0xb5: {  	[tilespmem:s0], [sflag:$0x4] =	stream.indirect.gather [hbm4b:s1+s29], $0x80, s5, s29, $0xb8;
	[tilespmem:$0x1EE88] =	vst v63  }
0xb6: {  	s16 =	simm.s32 $0x26C0  }
0xb7: {  	[spmem:s4] =	stream.indirect.scatter.add.f32 [tilespmem:s26], [sflag:$0x7], $0x8, s16, s29, $0xb8;
	[tilespmem:$0x1EE88] =	vst v63  }
0xb8: {  	_ = 	snop  }
0xb9: {  	[spmem:s3] =	stream.indirect.scatter.add.f32 [tilespmem:s28], [sflag:$0x8], $0x80, s16, s29, $0xb8;
	[tilespmem:$0x1EE88] =	vst v63  }
0xba: {  	_ =	swait.ge [sflag:s25], $0x2800  }
0xbb: {  	[sflag:s25] =	ssyncset.done $0x0  }
0xbc: {  	[sflag:s25] =	ssyncadd.s32 $0xFFFFD800  }
0xbd: {  	_ =	swait.ge [sflag:s12], $0x2800  }
0xbe: {  	[sflag:s12] =	ssyncset.done $0x0  }
0xbf: {  	[sflag:s12] =	ssyncadd.s32 $0xFFFFD800  }
0xc0: {  	_ =	swait.ge [sflag:s2], $0x50  }
0xc1: {  	[sflag:s2] =	ssyncset.done $0x0  }
0xc2: {  	[sflag:s2] =	ssyncadd.s32 $0xFFFFFFB0  }
0xc3: {  	[tilespmem:s28], [sflag:$0x5] =	stream.indirect.gather [hbm4b:s1+s29], $0x80, s29, s29, $0xb8;
	[tilespmem:$0x1EE88] =	vst v63  }
0xc4: {  	s22 =	simm.s32 $0x2710  }
0xc5: {  	[spmem:s4] =	stream.indirect.scatter.add.f32 [tilespmem:s26], [sflag:$0x7], $0x8, s22, s29, $0xb8;
	[tilespmem:$0x1EE88] =	vst v63  }
0xc6: {  	_ = 	snop  }
0xc7: {  	[spmem:s3] =	stream.indirect.scatter.add.f32 [tilespmem:s9], [sflag:$0x8], $0x80, s22, s29, $0xb8;
	[tilespmem:$0x1EE88] =	vst v63  }
0xc8: {  	_ =	swait.ge [sflag:s25], $0x2800  }
0xc9: {  	[sflag:s25] =	ssyncset.done $0x0  }
0xca: {  	[sflag:s25] =	ssyncadd.s32 $0xFFFFD800  }
0xcb: {  	_ =	swait.ge [sflag:s7], $0x2800  }
0xcc: {  	[sflag:s7] =	ssyncset.done $0x0  }
0xcd: {  	s23 =	simm.s32 $0x2760;
	[sflag:s7] =	ssyncadd.s32 $0xFFFFD800  }
0xce: {  	[spmem:s4] =	stream.indirect.scatter.add.f32 [tilespmem:s26], [sflag:$0x7], $0x8, s23, s29, $0xb8;
	[tilespmem:$0x1EE88] =	vst v63  }
0xcf: {  	_ = 	snop  }
0xd0: {  	[spmem:s3] =	stream.indirect.scatter.add.f32 [tilespmem:s0], [sflag:$0x8], $0x80, s23, s29, $0xb8;
	[tilespmem:$0x1EE88] =	vst v63  }
0xd1: {  	_ =	swait.ge [sflag:s25], $0x2800  }
0xd2: {  	[sflag:s25] =	ssyncset.done $0x0  }
0xd3: {  	[sflag:s25] =	ssyncadd.s32 $0xFFFFD800  }
0xd4: {  	_ =	swait.ge [sflag:s11], $0x2800  }
0xd5: {  	[sflag:s11] =	ssyncset.done $0x0  }
0xd6: {  	s24 =	simm.s32 $0x27B0;
	[sflag:s11] =	ssyncadd.s32 $0xFFFFD800  }
0xd7: {  	[spmem:s4] =	stream.indirect.scatter.add.f32 [tilespmem:s26], [sflag:$0x7], $0x8, s24, s29, $0xb8;
	[tilespmem:$0x1EE88] =	vst v63  }
0xd8: {  	_ = 	snop  }
0xd9: {  	[spmem:s3] =	stream.indirect.scatter.add.f32 [tilespmem:s28], [sflag:$0x8], $0x80, s24, s29, $0xb8;
	[tilespmem:$0x1EE88] =	vst v63  }
0xda: {  	_ =	swait.ge [sflag:s25], $0x2800  }
0xdb: {  	[sflag:s25] =	ssyncset.done $0x0  }
0xdc: {  	[sflag:s25] =	ssyncadd.s32 $0xFFFFD800  }
0xdd: {  	_ =	swait.ge [sflag:s19], $0x280  }
0xde: {  	s15 =	simm.s32 $0x7C;
	[sflag:s19] =	ssyncset.done $0x0  }
.LBB2_4:
0xdf: {  	p0 =	sne.s32 s15, $0x1;
	s15 =	sadd.s32 $0xFFFFFFFF, s15;
	[sflag:s19] =	ssyncadd.s32 $0xFFFFFD80  }
.Ltmp1:
0xe0: {  	(pc) =	sbr.rel @p0 .LBB2_4-.Ltmp1, $3  }
0xe1: {  	_ =	sdelay $0x1  }
0xe2: {  	_ =	swait.ge [sflag:s19], $0x280  }
0xe3: {  	[sflag:s19] =	ssyncset.done $0x0  }
0xe4: {  	[sflag:s19] =	ssyncadd.s32 $0xFFFFFD80  }
0xe5: {  	[bflag:$0x0] =	sbarrier.arrive $0xFFFF  }
0xe6: {  	s14 =	rddreg [dreg:$0x11]  }
0xe7: {  	[hbm:s14], [sflag:s10] =	dma.local [spmem:s21], $0x2710  }
0xe8: {  	_ =	swait.ge [sflag:s25], $0x2710  }
0xe9: {  	[sflag:s25] =	ssyncset.done $0x0  }
0xea: {  	s23 =	rddreg [dreg:$0x12];
	[sflag:s25] =	ssyncadd.s32 $0xFFFFD8F0  }
0xeb: {  	[hbm:s23], [sflag:s10] =	dma.local [spmem:s13], $0x271  }
0xec: {  	_ =	swait.ge [sflag:s25], $0x271  }
0xed: {  	s20 =	sadd.s32 $0x1, s20;
	s24 =	rddreg [dreg:$0x13]  }
0xee: {  	p0 =	sne.s32 s20, s24  }
.Ltmp2:
0xef: {  	_ = 	snop;
	(pc) =	sbr.rel @p0 .LBB2_1-.Ltmp2, $3  }
0xf0: {  	_ =	sdelay $0x1  }
0xf1: {  	[sflag:s25] =	ssyncset.done $0x0  }
0xf2: {  	[sflag:s25] =	ssyncadd.s32 $0xFFFFFD8F  }
0xf3: {  	_ =	sfence.sel $0x180000  }
0xf4: {  	[bflag:$0x0] =	sbarrier.arrive $0xFFFF  }
0xf5: {  	_ =	strace $0x90000047  }
0xf6: {  	s0 =	stileid.u32;
	[bflag:$0x2] =	sbarrier.arrive $0xFFFF  }
0xf7: {  	p0 =	sne.s32 s0, $0x0;
	s0 =	rddreg [dreg:$0x5]  }
0xf8: {  	s0 =	sadd.s32 @!p0 $0x100000, s0  }
0xf9: {  	[sflag:s0] =	ssyncadd.tile.s32 @!p0 $0x1;
	_ =	shalt  }
.Lfunc_end2:
_tile_overlayer_lowered:
.L_overlay_start_2:
0xfa: {  	(tag) =	ssettag $0x2  }
0xfb: {  	s0 =	rddreg [dreg:$0x0];
	s2 =	stileid.u32  }
0xfc: {  	s1 =	rddreg [dreg:$0x1];
	p0 =	sne.s32 s2, $0x0  }
0xfd: {  	s3 =	rddreg [dreg:$0x2];
	[bflag:$0x3] =	sbarrier.arrive $0xFFFF;
	s2 =	simm.s32 @!p0 $0x1C08  }
0xfe: {  	[timem:s3], [sflag:s2] =	dma.local @!p0 [hbm:s0], s1  }
0xff: {  	s0 =	simm.s32 @!p0 $0x8  }
0x100: {  	_ =	swait.ge @!p0 [sflag:s0], s1  }
0x101: {  	s1 =	ssub.s32 @!p0 $0x0, s1;
	[sflag:s0] =	ssyncset.done @!p0 $0x0  }
0x102: {  	[sflag:s0] =	ssyncadd.s32 @!p0 s1  }
0x103: {  	[bflag:$0x3] =	sbarrier.arrive $0xFFFF  }
0x104: {  	_ =	shalt  }

</sc_bundles>
